<compile_context>
chip_gen: v7x
topology: tpu7x:2x2x1
jax: 0.10.2.dev20260603
libtpu: 0.0.44.dev20260713+nightly
codegen_flags: <defaults>
</compile_context>

<pallas_src>
import functools

import jax
import jax.numpy as jnp
from jax import lax
from jax.experimental import pallas as pl
from jax.experimental.pallas import tpu as pltpu
from jax.experimental.pallas import tpu_sc as plsc

_LANES = 128
_NBUF = 4


def _project_table(pitch_embed, W, b):
    V, H = pitch_embed.shape
    O = W.shape[0]

    def body(e_ref, w_ref, b_ref, o_ref):
        res = lax.dot_general(
            e_ref[...], w_ref[...],
            dimension_numbers=(((1,), (1,)), ((), ())),
            preferred_element_type=jnp.float32,
        ) + b_ref[...]
        o_ref[...] = jnp.concatenate(
            [res, jnp.zeros((V, _LANES - O), jnp.float32)], axis=1)

    return pl.pallas_call(
        body,
        out_shape=jax.ShapeDtypeStruct((V, _LANES), jnp.float32),
    )(pitch_embed, W, b.reshape(1, O))


@functools.lru_cache(maxsize=None)
def _make_sc_gather(V, NW, NC, C):
    mesh = plsc.VectorSubcoreMesh(core_axis_name="c", subcore_axis_name="s")

    @functools.partial(
        pl.kernel,
        out_type=jax.ShapeDtypeStruct((NW * C * 128, _LANES), jnp.float32),
        mesh=mesh,
        scratch_types=[
            pltpu.VMEM((C, 128), jnp.int32),
            pltpu.VMEM((_NBUF, 128, _LANES), jnp.float32),
            pltpu.VMEM_SHARED((V, _LANES), jnp.float32),
        ] + [pltpu.SemaphoreType.DMA] * (2 * _NBUF),
    )
    def k(table_hbm, idx_hbm, out_hbm, idx_v, rows_v, table_sp, *sems):
        gsem = sems[:_NBUF]
        ssem = sems[_NBUF:]
        sid = lax.axis_index("s")
        wid = sid * NC + lax.axis_index("c")
        base = wid * C * 128
        @pl.when(sid == 0)
        def _():
            pltpu.sync_copy(table_hbm, table_sp)
        pltpu.sync_copy(idx_hbm.at[pl.ds(wid * C, C)], idx_v)
        plsc.subcore_barrier()
        gathers = [None] * _NBUF
        stores = [None] * _NBUF
        for j in range(min(_NBUF, C)):
            gathers[j] = pltpu.async_copy(
                table_sp.at[idx_v.at[j]], rows_v.at[j], gsem[j])
        for j in range(C):
            buf = j % _NBUF
            gathers[buf].wait()
            stores[buf] = pltpu.async_copy(
                rows_v.at[buf],
                out_hbm.at[pl.ds(base + j * 128, 128)], ssem[buf])
            nj = j + _NBUF
            if nj < C:
                stores[buf].wait()
                stores[buf] = None
                gathers[buf] = pltpu.async_copy(
                    table_sp.at[idx_v.at[nj]], rows_v.at[buf], gsem[buf])
        for st in stores:
            if st is not None:
                st.wait()

    return k


def kernel(mel, pitch_embed, W, b):
    B, T = mel.shape
    V, H = pitch_embed.shape
    O = W.shape[0]

    info = plsc.get_sparse_core_info()
    NC, NS = info.num_cores, info.num_subcores
    NW = NC * NS
    tokens = B * T
    assert tokens % (NW * 128) == 0
    C = tokens // (NW * 128)

    proj = _project_table(pitch_embed, W, b)
    idx = mel.reshape(tokens // 128, 128).astype(jnp.int32)
    padded = _make_sc_gather(V, NW, NC, C)(proj, idx)
    return padded[:, :O].reshape(B, T, O)

# --- scband reference (transcript-rebuilt; emitter-appended) ---
"""Pipeline reference for scband-condition-embedding-87505663689312 (READ-ONLY COPY).

The authoritative reference and input builder live on the scoring server;
editing this copy changes nothing except your own understanding.
"""

import jax, jax.numpy as jnp
import numpy as np

HIDDEN = 256
OUT_DIMS = 80
VOCAB = 300
PAD_IDX = 0
B, T = 16, 2048


def setup_inputs(seed: int = 0) -> dict:
    key = jax.random.key(seed)
    k1, k2, k3 = jax.random.split(key, 3)
    mel = jax.random.randint(k1, (B, T), 0, VOCAB, dtype=jnp.int64) if jax.config.jax_enable_x64 else jax.random.randint(k1, (B, T), 0, VOCAB, dtype=jnp.int32)
    # pitch embedding table: normal(0, hidden**-0.5), padding row zeroed
    pitch_embed = jax.random.normal(k2, (VOCAB, HIDDEN), dtype=jnp.float32) * (HIDDEN ** -0.5)
    pitch_embed = pitch_embed.at[PAD_IDX].set(0.0)
    # mel_out linear: xavier_uniform weight [out, in], zero bias
    limit = float(np.sqrt(6.0 / (HIDDEN + OUT_DIMS)))
    W = jax.random.uniform(k3, (OUT_DIMS, HIDDEN), dtype=jnp.float32, minval=-limit, maxval=limit)
    b = jnp.zeros((OUT_DIMS,), dtype=jnp.float32)
    return {"mel": mel, "pitch_embed": pitch_embed, "W": W, "b": b}


def reference(mel, pitch_embed, W, b):
    # embedding lookup (gather)
    h = jnp.take(pitch_embed, mel, axis=0)  # [B, T, hidden]
    # mel_out linear
    out = h @ W.T + b  # [B, T, out_dims]
    return out

if __name__ == "__main__":
    import jax
    _d = setup_inputs()
    print(jax.jit(kernel)(*tuple(_d.values())))

</pallas_src>

<mosaic_0001>
#map = affine_map<(d0, d1) -> (0, 0)>
module attributes {stable_mosaic.version = 14 : i64} {
  func.func @k(%arg0: i32, %arg1: i32, %arg2: memref<300x128xf32, #tpu.memory_space<hbm>>, %arg3: memref<256x128xi32, #tpu.memory_space<hbm>>, %arg4: memref<32768x128xf32, #tpu.memory_space<hbm>>, %arg5: memref<8x128xi32, #tpu.memory_space<vmem>>, %arg6: memref<4x128x128xf32, #tpu.memory_space<vmem>>, %arg7: memref<300x128xf32, #tpu.memory_space<vmem_shared>>, %arg8: memref<!tpu.dma_semaphore, #tpu.memory_space<semaphore_mem>>, %arg9: memref<!tpu.dma_semaphore, #tpu.memory_space<semaphore_mem>>, %arg10: memref<!tpu.dma_semaphore, #tpu.memory_space<semaphore_mem>>, %arg11: memref<!tpu.dma_semaphore, #tpu.memory_space<semaphore_mem>>, %arg12: memref<!tpu.dma_semaphore, #tpu.memory_space<semaphore_mem>>, %arg13: memref<!tpu.dma_semaphore, #tpu.memory_space<semaphore_mem>>, %arg14: memref<!tpu.dma_semaphore, #tpu.memory_space<semaphore_mem>>, %arg15: memref<!tpu.dma_semaphore, #tpu.memory_space<semaphore_mem>>) attributes {dimension_semantics = [#tpu.dimension_semantics<core_parallel>, #tpu.dimension_semantics<subcore_parallel>], iteration_bounds = array<i64: 2, 16>, scalar_prefetch = 0 : i64, scratch_operands = 11 : i64, tpu.core_type = #tpu.core_type<sc_vector_subcore>, window_params = [{transform_indices = #map}, {transform_indices = #map}, {transform_indices = #map}]} {
    %mul3A = arith.constant 2 : i32
    %mul3A_0 = arith.muli %arg1, %mul3A : i32
    %add3A = arith.addi %mul3A_0, %arg0 : i32
    %mul3A_1 = arith.constant 8 : i32
    %mul3A_2 = arith.muli %add3A, %mul3A_1 : i32
    %mul3A_3 = arith.constant 128 : i32
    %mul3A_4 = arith.muli %mul3A_2, %mul3A_3 : i32
    %eq3A = arith.constant 0 : i32
    %eq3A_5 = arith.cmpi eq, %arg1, %eq3A : i32
    %convert_element_type3A = arith.extui %eq3A_5 : i1 to i32
    %cond3A = arith.constant 0 : i32
    %cond3A_6 = arith.cmpi ne, %convert_element_type3A, %cond3A : i32
    scf.if %cond3A_6 {
      "tpu.region"() ({
        %run_scoped3A = tpu.sem_alloc : memref<!tpu.dma_semaphore, #tpu.memory_space<semaphore_mem>>
        tpu.enqueue_dma source(%arg2 : memref<300x128xf32, #tpu.memory_space<hbm>>) target(%arg7 : memref<300x128xf32, #tpu.memory_space<vmem_shared>>) target_semaphore(%run_scoped3A : memref<!tpu.dma_semaphore, #tpu.memory_space<semaphore_mem>>)
        tpu.wait_dma2 semaphore(%run_scoped3A : memref<!tpu.dma_semaphore, #tpu.memory_space<semaphore_mem>>) src(%arg2 : memref<300x128xf32, #tpu.memory_space<hbm>>) dst(%arg7 : memref<300x128xf32, #tpu.memory_space<vmem_shared>>)
        tpu.yield
      }) : () -> ()
    } else {
    }
    %mul3A_7 = arith.constant 8 : i32
    %mul3A_8 = arith.muli %add3A, %mul3A_7 : i32
    "tpu.region"() ({
      %run_scoped3A = tpu.sem_alloc : memref<!tpu.dma_semaphore, #tpu.memory_space<semaphore_mem>>
      %dma_start3A_423 = arith.constant 0 : i32
      %dma_start3A_424 = tpu.memref_slice %arg3[%mul3A_8, %dma_start3A_423] : memref<256x128xi32, #tpu.memory_space<hbm>> -> memref<8x128xi32, #tpu.memory_space<hbm>>
      %dma_start3A_425 = arith.constant 0 : i32
      %dma_start3A_426 = tpu.memref_slice %arg3[%mul3A_8, %dma_start3A_425] : memref<256x128xi32, #tpu.memory_space<hbm>> -> memref<8x128xi32, #tpu.memory_space<hbm>>
      tpu.enqueue_dma source(%dma_start3A_426 : memref<8x128xi32, #tpu.memory_space<hbm>>) target(%arg5 : memref<8x128xi32, #tpu.memory_space<vmem>>) target_semaphore(%run_scoped3A : memref<!tpu.dma_semaphore, #tpu.memory_space<semaphore_mem>>)
      %dma_wait3A_427 = arith.constant 0 : i32
      %dma_wait3A_428 = tpu.memref_slice %arg3[%mul3A_8, %dma_wait3A_427] : memref<256x128xi32, #tpu.memory_space<hbm>> -> memref<8x128xi32, #tpu.memory_space<hbm>>
      %dma_wait3A_429 = arith.constant 0 : i32
      %dma_wait3A_430 = tpu.memref_slice %arg3[%mul3A_8, %dma_wait3A_429] : memref<256x128xi32, #tpu.memory_space<hbm>> -> memref<8x128xi32, #tpu.memory_space<hbm>>
      tpu.wait_dma2 semaphore(%run_scoped3A : memref<!tpu.dma_semaphore, #tpu.memory_space<semaphore_mem>>) src(%dma_wait3A_430 : memref<8x128xi32, #tpu.memory_space<hbm>>) dst(%arg5 : memref<8x128xi32, #tpu.memory_space<vmem>>)
      tpu.yield
    }) : () -> ()
    %barrier3A = arith.constant 0 : index
    tpu.barrier barrier_id(%barrier3A)
    %dma_start3A = arith.constant 0 : i32
    %dma_start3A_9 = arith.constant 0 : i32
    %dma_start3A_10 = arith.constant 0 : i32
    %dma_start3A_11 = arith.constant 0 : i32
    %dma_start3A_12 = tpu.memref_slice %arg6[%dma_start3A_9, %dma_start3A_10, %dma_start3A_11] : memref<4x128x128xf32, #tpu.memory_space<vmem>> -> memref<1x128x128xf32, #tpu.memory_space<vmem>>
    %dma_start3A_13 = tpu.memref_squeeze %dma_start3A_12 : memref<1x128x128xf32, #tpu.memory_space<vmem>> -> memref<128x128xf32, #tpu.memory_space<vmem>>
    %dma_start3A_14 = arith.constant 0 : i32
    %dma_start3A_15 = tpu.memref_slice %arg5[%dma_start3A, %dma_start3A_14] : memref<8x128xi32, #tpu.memory_space<vmem>> -> memref<1x128xi32, #tpu.memory_space<vmem>>
    %dma_start3A_16 = tpu.memref_squeeze %dma_start3A_15 : memref<1x128xi32, #tpu.memory_space<vmem>> -> memref<128xi32, #tpu.memory_space<vmem>>
    %dma_start3A_17 = arith.constant 0 : i32
    %dma_start3A_18 = arith.constant 0 : i32
    %dma_start3A_19 = tpu.memref_slice %arg7[%dma_start3A_17, %dma_start3A_18] : memref<300x128xf32, #tpu.memory_space<vmem_shared>> -> memref<300x128xf32, #tpu.memory_space<vmem_shared>>
    tpu.enqueue_indirect_dma source(%dma_start3A_19 : memref<300x128xf32, #tpu.memory_space<vmem_shared>>) target(%dma_start3A_13 : memref<128x128xf32, #tpu.memory_space<vmem>>) offsets(%dma_start3A_16 : memref<128xi32, #tpu.memory_space<vmem>>) semaphore(%arg8 : memref<!tpu.dma_semaphore, #tpu.memory_space<semaphore_mem>>)
    %dma_start3A_20 = arith.constant 1 : i32
    %dma_start3A_21 = arith.constant 1 : i32
    %dma_start3A_22 = arith.constant 0 : i32
    %dma_start3A_23 = arith.constant 0 : i32
    %dma_start3A_24 = tpu.memref_slice %arg6[%dma_start3A_21, %dma_start3A_22, %dma_start3A_23] : memref<4x128x128xf32, #tpu.memory_space<vmem>> -> memref<1x128x128xf32, #tpu.memory_space<vmem>>
    %dma_start3A_25 = tpu.memref_squeeze %dma_start3A_24 : memref<1x128x128xf32, #tpu.memory_space<vmem>> -> memref<128x128xf32, #tpu.memory_space<vmem>>
    %dma_start3A_26 = arith.constant 0 : i32
    %dma_start3A_27 = tpu.memref_slice %arg5[%dma_start3A_20, %dma_start3A_26] : memref<8x128xi32, #tpu.memory_space<vmem>> -> memref<1x128xi32, #tpu.memory_space<vmem>>
    %dma_start3A_28 = tpu.memref_squeeze %dma_start3A_27 : memref<1x128xi32, #tpu.memory_space<vmem>> -> memref<128xi32, #tpu.memory_space<vmem>>
    %dma_start3A_29 = arith.constant 0 : i32
    %dma_start3A_30 = arith.constant 0 : i32
    %dma_start3A_31 = tpu.memref_slice %arg7[%dma_start3A_29, %dma_start3A_30] : memref<300x128xf32, #tpu.memory_space<vmem_shared>> -> memref<300x128xf32, #tpu.memory_space<vmem_shared>>
    tpu.enqueue_indirect_dma source(%dma_start3A_31 : memref<300x128xf32, #tpu.memory_space<vmem_shared>>) target(%dma_start3A_25 : memref<128x128xf32, #tpu.memory_space<vmem>>) offsets(%dma_start3A_28 : memref<128xi32, #tpu.memory_space<vmem>>) semaphore(%arg9 : memref<!tpu.dma_semaphore, #tpu.memory_space<semaphore_mem>>)
    %dma_start3A_32 = arith.constant 2 : i32
    %dma_start3A_33 = arith.constant 2 : i32
    %dma_start3A_34 = arith.constant 0 : i32
    %dma_start3A_35 = arith.constant 0 : i32
    %dma_start3A_36 = tpu.memref_slice %arg6[%dma_start3A_33, %dma_start3A_34, %dma_start3A_35] : memref<4x128x128xf32, #tpu.memory_space<vmem>> -> memref<1x128x128xf32, #tpu.memory_space<vmem>>
    %dma_start3A_37 = tpu.memref_squeeze %dma_start3A_36 : memref<1x128x128xf32, #tpu.memory_space<vmem>> -> memref<128x128xf32, #tpu.memory_space<vmem>>
    %dma_start3A_38 = arith.constant 0 : i32
    %dma_start3A_39 = tpu.memref_slice %arg5[%dma_start3A_32, %dma_start3A_38] : memref<8x128xi32, #tpu.memory_space<vmem>> -> memref<1x128xi32, #tpu.memory_space<vmem>>
    %dma_start3A_40 = tpu.memref_squeeze %dma_start3A_39 : memref<1x128xi32, #tpu.memory_space<vmem>> -> memref<128xi32, #tpu.memory_space<vmem>>
    %dma_start3A_41 = arith.constant 0 : i32
    %dma_start3A_42 = arith.constant 0 : i32
    %dma_start3A_43 = tpu.memref_slice %arg7[%dma_start3A_41, %dma_start3A_42] : memref<300x128xf32, #tpu.memory_space<vmem_shared>> -> memref<300x128xf32, #tpu.memory_space<vmem_shared>>
    tpu.enqueue_indirect_dma source(%dma_start3A_43 : memref<300x128xf32, #tpu.memory_space<vmem_shared>>) target(%dma_start3A_37 : memref<128x128xf32, #tpu.memory_space<vmem>>) offsets(%dma_start3A_40 : memref<128xi32, #tpu.memory_space<vmem>>) semaphore(%arg10 : memref<!tpu.dma_semaphore, #tpu.memory_space<semaphore_mem>>)
    %dma_start3A_44 = arith.constant 3 : i32
    %dma_start3A_45 = arith.constant 3 : i32
    %dma_start3A_46 = arith.constant 0 : i32
    %dma_start3A_47 = arith.constant 0 : i32
    %dma_start3A_48 = tpu.memref_slice %arg6[%dma_start3A_45, %dma_start3A_46, %dma_start3A_47] : memref<4x128x128xf32, #tpu.memory_space<vmem>> -> memref<1x128x128xf32, #tpu.memory_space<vmem>>
    %dma_start3A_49 = tpu.memref_squeeze %dma_start3A_48 : memref<1x128x128xf32, #tpu.memory_space<vmem>> -> memref<128x128xf32, #tpu.memory_space<vmem>>
    %dma_start3A_50 = arith.constant 0 : i32
    %dma_start3A_51 = tpu.memref_slice %arg5[%dma_start3A_44, %dma_start3A_50] : memref<8x128xi32, #tpu.memory_space<vmem>> -> memref<1x128xi32, #tpu.memory_space<vmem>>
    %dma_start3A_52 = tpu.memref_squeeze %dma_start3A_51 : memref<1x128xi32, #tpu.memory_space<vmem>> -> memref<128xi32, #tpu.memory_space<vmem>>
    %dma_start3A_53 = arith.constant 0 : i32
    %dma_start3A_54 = arith.constant 0 : i32
    %dma_start3A_55 = tpu.memref_slice %arg7[%dma_start3A_53, %dma_start3A_54] : memref<300x128xf32, #tpu.memory_space<vmem_shared>> -> memref<300x128xf32, #tpu.memory_space<vmem_shared>>
    tpu.enqueue_indirect_dma source(%dma_start3A_55 : memref<300x128xf32, #tpu.memory_space<vmem_shared>>) target(%dma_start3A_49 : memref<128x128xf32, #tpu.memory_space<vmem>>) offsets(%dma_start3A_52 : memref<128xi32, #tpu.memory_space<vmem>>) semaphore(%arg11 : memref<!tpu.dma_semaphore, #tpu.memory_space<semaphore_mem>>)
    %dma_wait3A = arith.constant 0 : i32
    %dma_wait3A_56 = arith.constant 0 : i32
    %dma_wait3A_57 = arith.constant 0 : i32
    %dma_wait3A_58 = arith.constant 0 : i32
    %dma_wait3A_59 = tpu.memref_slice %arg6[%dma_wait3A_56, %dma_wait3A_57, %dma_wait3A_58] : memref<4x128x128xf32, #tpu.memory_space<vmem>> -> memref<1x128x128xf32, #tpu.memory_space<vmem>>
    %dma_wait3A_60 = tpu.memref_squeeze %dma_wait3A_59 : memref<1x128x128xf32, #tpu.memory_space<vmem>> -> memref<128x128xf32, #tpu.memory_space<vmem>>
    %dma_wait3A_61 = arith.constant 0 : i32
    %dma_wait3A_62 = tpu.memref_slice %arg5[%dma_wait3A, %dma_wait3A_61] : memref<8x128xi32, #tpu.memory_space<vmem>> -> memref<1x128xi32, #tpu.memory_space<vmem>>
    %dma_wait3A_63 = tpu.memref_squeeze %dma_wait3A_62 : memref<1x128xi32, #tpu.memory_space<vmem>> -> memref<128xi32, #tpu.memory_space<vmem>>
    %dma_wait3A_64 = arith.constant 0 : i32
    %dma_wait3A_65 = arith.constant 0 : i32
    %dma_wait3A_66 = tpu.memref_slice %arg7[%dma_wait3A_64, %dma_wait3A_65] : memref<300x128xf32, #tpu.memory_space<vmem_shared>> -> memref<300x128xf32, #tpu.memory_space<vmem_shared>>
    tpu.wait_indirect_dma semaphore(%arg8 : memref<!tpu.dma_semaphore, #tpu.memory_space<semaphore_mem>>) src(%dma_wait3A_66 : memref<300x128xf32, #tpu.memory_space<vmem_shared>>) dst(%dma_wait3A_60 : memref<128x128xf32, #tpu.memory_space<vmem>>)
    %add3A_67 = arith.constant 0 : i32
    %add3A_68 = arith.addi %mul3A_4, %add3A_67 : i32
    %dma_start3A_69 = arith.constant 0 : i32
    %dma_start3A_70 = arith.constant 0 : i32
    %dma_start3A_71 = arith.constant 0 : i32
    %dma_start3A_72 = tpu.memref_slice %arg6[%dma_start3A_69, %dma_start3A_70, %dma_start3A_71] : memref<4x128x128xf32, #tpu.memory_space<vmem>> -> memref<1x128x128xf32, #tpu.memory_space<vmem>>
    %dma_start3A_73 = tpu.memref_squeeze %dma_start3A_72 : memref<1x128x128xf32, #tpu.memory_space<vmem>> -> memref<128x128xf32, #tpu.memory_space<vmem>>
    %dma_start3A_74 = arith.constant 0 : i32
    %dma_start3A_75 = tpu.memref_slice %arg4[%add3A_68, %dma_start3A_74] : memref<32768x128xf32, #tpu.memory_space<hbm>> -> memref<128x128xf32, #tpu.memory_space<hbm>>
    %dma_start3A_76 = arith.constant 0 : i32
    %dma_start3A_77 = tpu.memref_slice %arg4[%add3A_68, %dma_start3A_76] : memref<32768x128xf32, #tpu.memory_space<hbm>> -> memref<128x128xf32, #tpu.memory_space<hbm>>
    %dma_start3A_78 = arith.constant 0 : i32
    %dma_start3A_79 = arith.constant 0 : i32
    %dma_start3A_80 = tpu.memref_slice %arg6[%dma_start3A_69, %dma_start3A_78, %dma_start3A_79] : memref<4x128x128xf32, #tpu.memory_space<vmem>> -> memref<1x128x128xf32, #tpu.memory_space<vmem>>
    %dma_start3A_81 = tpu.memref_squeeze %dma_start3A_80 : memref<1x128x128xf32, #tpu.memory_space<vmem>> -> memref<128x128xf32, #tpu.memory_space<vmem>>
    tpu.enqueue_dma source(%dma_start3A_81 : memref<128x128xf32, #tpu.memory_space<vmem>>) target(%dma_start3A_77 : memref<128x128xf32, #tpu.memory_space<hbm>>) target_semaphore(%arg12 : memref<!tpu.dma_semaphore, #tpu.memory_space<semaphore_mem>>)
    %dma_wait3A_82 = arith.constant 0 : i32
    %dma_wait3A_83 = arith.constant 0 : i32
    %dma_wait3A_84 = arith.constant 0 : i32
    %dma_wait3A_85 = tpu.memref_slice %arg6[%dma_wait3A_82, %dma_wait3A_83, %dma_wait3A_84] : memref<4x128x128xf32, #tpu.memory_space<vmem>> -> memref<1x128x128xf32, #tpu.memory_space<vmem>>
    %dma_wait3A_86 = tpu.memref_squeeze %dma_wait3A_85 : memref<1x128x128xf32, #tpu.memory_space<vmem>> -> memref<128x128xf32, #tpu.memory_space<vmem>>
    %dma_wait3A_87 = arith.constant 0 : i32
    %dma_wait3A_88 = tpu.memref_slice %arg4[%add3A_68, %dma_wait3A_87] : memref<32768x128xf32, #tpu.memory_space<hbm>> -> memref<128x128xf32, #tpu.memory_space<hbm>>
    %dma_wait3A_89 = arith.constant 0 : i32
    %dma_wait3A_90 = tpu.memref_slice %arg4[%add3A_68, %dma_wait3A_89] : memref<32768x128xf32, #tpu.memory_space<hbm>> -> memref<128x128xf32, #tpu.memory_space<hbm>>
    %dma_wait3A_91 = arith.constant 0 : i32
    %dma_wait3A_92 = arith.constant 0 : i32
    %dma_wait3A_93 = tpu.memref_slice %arg6[%dma_wait3A_82, %dma_wait3A_91, %dma_wait3A_92] : memref<4x128x128xf32, #tpu.memory_space<vmem>> -> memref<1x128x128xf32, #tpu.memory_space<vmem>>
    %dma_wait3A_94 = tpu.memref_squeeze %dma_wait3A_93 : memref<1x128x128xf32, #tpu.memory_space<vmem>> -> memref<128x128xf32, #tpu.memory_space<vmem>>
    tpu.wait_dma2 semaphore(%arg12 : memref<!tpu.dma_semaphore, #tpu.memory_space<semaphore_mem>>) src(%dma_wait3A_94 : memref<128x128xf32, #tpu.memory_space<vmem>>) dst(%dma_wait3A_90 : memref<128x128xf32, #tpu.memory_space<hbm>>)
    %dma_start3A_95 = arith.constant 4 : i32
    %dma_start3A_96 = arith.constant 0 : i32
    %dma_start3A_97 = arith.constant 0 : i32
    %dma_start3A_98 = arith.constant 0 : i32
    %dma_start3A_99 = tpu.memref_slice %arg6[%dma_start3A_96, %dma_start3A_97, %dma_start3A_98] : memref<4x128x128xf32, #tpu.memory_space<vmem>> -> memref<1x128x128xf32, #tpu.memory_space<vmem>>
    %dma_start3A_100 = tpu.memref_squeeze %dma_start3A_99 : memref<1x128x128xf32, #tpu.memory_space<vmem>> -> memref<128x128xf32, #tpu.memory_space<vmem>>
    %dma_start3A_101 = arith.constant 0 : i32
    %dma_start3A_102 = tpu.memref_slice %arg5[%dma_start3A_95, %dma_start3A_101] : memref<8x128xi32, #tpu.memory_space<vmem>> -> memref<1x128xi32, #tpu.memory_space<vmem>>
    %dma_start3A_103 = tpu.memref_squeeze %dma_start3A_102 : memref<1x128xi32, #tpu.memory_space<vmem>> -> memref<128xi32, #tpu.memory_space<vmem>>
    %dma_start3A_104 = arith.constant 0 : i32
    %dma_start3A_105 = arith.constant 0 : i32
    %dma_start3A_106 = tpu.memref_slice %arg7[%dma_start3A_104, %dma_start3A_105] : memref<300x128xf32, #tpu.memory_space<vmem_shared>> -> memref<300x128xf32, #tpu.memory_space<vmem_shared>>
    tpu.enqueue_indirect_dma source(%dma_start3A_106 : memref<300x128xf32, #tpu.memory_space<vmem_shared>>) target(%dma_start3A_100 : memref<128x128xf32, #tpu.memory_space<vmem>>) offsets(%dma_start3A_103 : memref<128xi32, #tpu.memory_space<vmem>>) semaphore(%arg8 : memref<!tpu.dma_semaphore, #tpu.memory_space<semaphore_mem>>)
    %dma_wait3A_107 = arith.constant 1 : i32
    %dma_wait3A_108 = arith.constant 1 : i32
    %dma_wait3A_109 = arith.constant 0 : i32
    %dma_wait3A_110 = arith.constant 0 : i32
    %dma_wait3A_111 = tpu.memref_slice %arg6[%dma_wait3A_108, %dma_wait3A_109, %dma_wait3A_110] : memref<4x128x128xf32, #tpu.memory_space<vmem>> -> memref<1x128x128xf32, #tpu.memory_space<vmem>>
    %dma_wait3A_112 = tpu.memref_squeeze %dma_wait3A_111 : memref<1x128x128xf32, #tpu.memory_space<vmem>> -> memref<128x128xf32, #tpu.memory_space<vmem>>
    %dma_wait3A_113 = arith.constant 0 : i32
    %dma_wait3A_114 = tpu.memref_slice %arg5[%dma_wait3A_107, %dma_wait3A_113] : memref<8x128xi32, #tpu.memory_space<vmem>> -> memref<1x128xi32, #tpu.memory_space<vmem>>
    %dma_wait3A_115 = tpu.memref_squeeze %dma_wait3A_114 : memref<1x128xi32, #tpu.memory_space<vmem>> -> memref<128xi32, #tpu.memory_space<vmem>>
    %dma_wait3A_116 = arith.constant 0 : i32
    %dma_wait3A_117 = arith.constant 0 : i32
    %dma_wait3A_118 = tpu.memref_slice %arg7[%dma_wait3A_116, %dma_wait3A_117] : memref<300x128xf32, #tpu.memory_space<vmem_shared>> -> memref<300x128xf32, #tpu.memory_space<vmem_shared>>
    tpu.wait_indirect_dma semaphore(%arg9 : memref<!tpu.dma_semaphore, #tpu.memory_space<semaphore_mem>>) src(%dma_wait3A_118 : memref<300x128xf32, #tpu.memory_space<vmem_shared>>) dst(%dma_wait3A_112 : memref<128x128xf32, #tpu.memory_space<vmem>>)
    %add3A_119 = arith.constant 128 : i32
    %add3A_120 = arith.addi %mul3A_4, %add3A_119 : i32
    %dma_start3A_121 = arith.constant 1 : i32
    %dma_start3A_122 = arith.constant 0 : i32
    %dma_start3A_123 = arith.constant 0 : i32
    %dma_start3A_124 = tpu.memref_slice %arg6[%dma_start3A_121, %dma_start3A_122, %dma_start3A_123] : memref<4x128x128xf32, #tpu.memory_space<vmem>> -> memref<1x128x128xf32, #tpu.memory_space<vmem>>
    %dma_start3A_125 = tpu.memref_squeeze %dma_start3A_124 : memref<1x128x128xf32, #tpu.memory_space<vmem>> -> memref<128x128xf32, #tpu.memory_space<vmem>>
    %dma_start3A_126 = arith.constant 0 : i32
    %dma_start3A_127 = tpu.memref_slice %arg4[%add3A_120, %dma_start3A_126] : memref<32768x128xf32, #tpu.memory_space<hbm>> -> memref<128x128xf32, #tpu.memory_space<hbm>>
    %dma_start3A_128 = arith.constant 0 : i32
    %dma_start3A_129 = tpu.memref_slice %arg4[%add3A_120, %dma_start3A_128] : memref<32768x128xf32, #tpu.memory_space<hbm>> -> memref<128x128xf32, #tpu.memory_space<hbm>>
    %dma_start3A_130 = arith.constant 0 : i32
    %dma_start3A_131 = arith.constant 0 : i32
    %dma_start3A_132 = tpu.memref_slice %arg6[%dma_start3A_121, %dma_start3A_130, %dma_start3A_131] : memref<4x128x128xf32, #tpu.memory_space<vmem>> -> memref<1x128x128xf32, #tpu.memory_space<vmem>>
    %dma_start3A_133 = tpu.memref_squeeze %dma_start3A_132 : memref<1x128x128xf32, #tpu.memory_space<vmem>> -> memref<128x128xf32, #tpu.memory_space<vmem>>
    tpu.enqueue_dma source(%dma_start3A_133 : memref<128x128xf32, #tpu.memory_space<vmem>>) target(%dma_start3A_129 : memref<128x128xf32, #tpu.memory_space<hbm>>) target_semaphore(%arg13 : memref<!tpu.dma_semaphore, #tpu.memory_space<semaphore_mem>>)
    %dma_wait3A_134 = arith.constant 1 : i32
    %dma_wait3A_135 = arith.constant 0 : i32
    %dma_wait3A_136 = arith.constant 0 : i32
    %dma_wait3A_137 = tpu.memref_slice %arg6[%dma_wait3A_134, %dma_wait3A_135, %dma_wait3A_136] : memref<4x128x128xf32, #tpu.memory_space<vmem>> -> memref<1x128x128xf32, #tpu.memory_space<vmem>>
    %dma_wait3A_138 = tpu.memref_squeeze %dma_wait3A_137 : memref<1x128x128xf32, #tpu.memory_space<vmem>> -> memref<128x128xf32, #tpu.memory_space<vmem>>
    %dma_wait3A_139 = arith.constant 0 : i32
    %dma_wait3A_140 = tpu.memref_slice %arg4[%add3A_120, %dma_wait3A_139] : memref<32768x128xf32, #tpu.memory_space<hbm>> -> memref<128x128xf32, #tpu.memory_space<hbm>>
    %dma_wait3A_141 = arith.constant 0 : i32
    %dma_wait3A_142 = tpu.memref_slice %arg4[%add3A_120, %dma_wait3A_141] : memref<32768x128xf32, #tpu.memory_space<hbm>> -> memref<128x128xf32, #tpu.memory_space<hbm>>
    %dma_wait3A_143 = arith.constant 0 : i32
    %dma_wait3A_144 = arith.constant 0 : i32
    %dma_wait3A_145 = tpu.memref_slice %arg6[%dma_wait3A_134, %dma_wait3A_143, %dma_wait3A_144] : memref<4x128x128xf32, #tpu.memory_space<vmem>> -> memref<1x128x128xf32, #tpu.memory_space<vmem>>
    %dma_wait3A_146 = tpu.memref_squeeze %dma_wait3A_145 : memref<1x128x128xf32, #tpu.memory_space<vmem>> -> memref<128x128xf32, #tpu.memory_space<vmem>>
    tpu.wait_dma2 semaphore(%arg13 : memref<!tpu.dma_semaphore, #tpu.memory_space<semaphore_mem>>) src(%dma_wait3A_146 : memref<128x128xf32, #tpu.memory_space<vmem>>) dst(%dma_wait3A_142 : memref<128x128xf32, #tpu.memory_space<hbm>>)
    %dma_start3A_147 = arith.constant 5 : i32
    %dma_start3A_148 = arith.constant 1 : i32
    %dma_start3A_149 = arith.constant 0 : i32
    %dma_start3A_150 = arith.constant 0 : i32
    %dma_start3A_151 = tpu.memref_slice %arg6[%dma_start3A_148, %dma_start3A_149, %dma_start3A_150] : memref<4x128x128xf32, #tpu.memory_space<vmem>> -> memref<1x128x128xf32, #tpu.memory_space<vmem>>
    %dma_start3A_152 = tpu.memref_squeeze %dma_start3A_151 : memref<1x128x128xf32, #tpu.memory_space<vmem>> -> memref<128x128xf32, #tpu.memory_space<vmem>>
    %dma_start3A_153 = arith.constant 0 : i32
    %dma_start3A_154 = tpu.memref_slice %arg5[%dma_start3A_147, %dma_start3A_153] : memref<8x128xi32, #tpu.memory_space<vmem>> -> memref<1x128xi32, #tpu.memory_space<vmem>>
    %dma_start3A_155 = tpu.memref_squeeze %dma_start3A_154 : memref<1x128xi32, #tpu.memory_space<vmem>> -> memref<128xi32, #tpu.memory_space<vmem>>
    %dma_start3A_156 = arith.constant 0 : i32
    %dma_start3A_157 = arith.constant 0 : i32
    %dma_start3A_158 = tpu.memref_slice %arg7[%dma_start3A_156, %dma_start3A_157] : memref<300x128xf32, #tpu.memory_space<vmem_shared>> -> memref<300x128xf32, #tpu.memory_space<vmem_shared>>
    tpu.enqueue_indirect_dma source(%dma_start3A_158 : memref<300x128xf32, #tpu.memory_space<vmem_shared>>) target(%dma_start3A_152 : memref<128x128xf32, #tpu.memory_space<vmem>>) offsets(%dma_start3A_155 : memref<128xi32, #tpu.memory_space<vmem>>) semaphore(%arg9 : memref<!tpu.dma_semaphore, #tpu.memory_space<semaphore_mem>>)
    %dma_wait3A_159 = arith.constant 2 : i32
    %dma_wait3A_160 = arith.constant 2 : i32
    %dma_wait3A_161 = arith.constant 0 : i32
    %dma_wait3A_162 = arith.constant 0 : i32
    %dma_wait3A_163 = tpu.memref_slice %arg6[%dma_wait3A_160, %dma_wait3A_161, %dma_wait3A_162] : memref<4x128x128xf32, #tpu.memory_space<vmem>> -> memref<1x128x128xf32, #tpu.memory_space<vmem>>
    %dma_wait3A_164 = tpu.memref_squeeze %dma_wait3A_163 : memref<1x128x128xf32, #tpu.memory_space<vmem>> -> memref<128x128xf32, #tpu.memory_space<vmem>>
    %dma_wait3A_165 = arith.constant 0 : i32
    %dma_wait3A_166 = tpu.memref_slice %arg5[%dma_wait3A_159, %dma_wait3A_165] : memref<8x128xi32, #tpu.memory_space<vmem>> -> memref<1x128xi32, #tpu.memory_space<vmem>>
    %dma_wait3A_167 = tpu.memref_squeeze %dma_wait3A_166 : memref<1x128xi32, #tpu.memory_space<vmem>> -> memref<128xi32, #tpu.memory_space<vmem>>
    %dma_wait3A_168 = arith.constant 0 : i32
    %dma_wait3A_169 = arith.constant 0 : i32
    %dma_wait3A_170 = tpu.memref_slice %arg7[%dma_wait3A_168, %dma_wait3A_169] : memref<300x128xf32, #tpu.memory_space<vmem_shared>> -> memref<300x128xf32, #tpu.memory_space<vmem_shared>>
    tpu.wait_indirect_dma semaphore(%arg10 : memref<!tpu.dma_semaphore, #tpu.memory_space<semaphore_mem>>) src(%dma_wait3A_170 : memref<300x128xf32, #tpu.memory_space<vmem_shared>>) dst(%dma_wait3A_164 : memref<128x128xf32, #tpu.memory_space<vmem>>)
    %add3A_171 = arith.constant 256 : i32
    %add3A_172 = arith.addi %mul3A_4, %add3A_171 : i32
    %dma_start3A_173 = arith.constant 2 : i32
    %dma_start3A_174 = arith.constant 0 : i32
    %dma_start3A_175 = arith.constant 0 : i32
    %dma_start3A_176 = tpu.memref_slice %arg6[%dma_start3A_173, %dma_start3A_174, %dma_start3A_175] : memref<4x128x128xf32, #tpu.memory_space<vmem>> -> memref<1x128x128xf32, #tpu.memory_space<vmem>>
    %dma_start3A_177 = tpu.memref_squeeze %dma_start3A_176 : memref<1x128x128xf32, #tpu.memory_space<vmem>> -> memref<128x128xf32, #tpu.memory_space<vmem>>
    %dma_start3A_178 = arith.constant 0 : i32
    %dma_start3A_179 = tpu.memref_slice %arg4[%add3A_172, %dma_start3A_178] : memref<32768x128xf32, #tpu.memory_space<hbm>> -> memref<128x128xf32, #tpu.memory_space<hbm>>
    %dma_start3A_180 = arith.constant 0 : i32
    %dma_start3A_181 = tpu.memref_slice %arg4[%add3A_172, %dma_start3A_180] : memref<32768x128xf32, #tpu.memory_space<hbm>> -> memref<128x128xf32, #tpu.memory_space<hbm>>
    %dma_start3A_182 = arith.constant 0 : i32
    %dma_start3A_183 = arith.constant 0 : i32
    %dma_start3A_184 = tpu.memref_slice %arg6[%dma_start3A_173, %dma_start3A_182, %dma_start3A_183] : memref<4x128x128xf32, #tpu.memory_space<vmem>> -> memref<1x128x128xf32, #tpu.memory_space<vmem>>
    %dma_start3A_185 = tpu.memref_squeeze %dma_start3A_184 : memref<1x128x128xf32, #tpu.memory_space<vmem>> -> memref<128x128xf32, #tpu.memory_space<vmem>>
    tpu.enqueue_dma source(%dma_start3A_185 : memref<128x128xf32, #tpu.memory_space<vmem>>) target(%dma_start3A_181 : memref<128x128xf32, #tpu.memory_space<hbm>>) target_semaphore(%arg14 : memref<!tpu.dma_semaphore, #tpu.memory_space<semaphore_mem>>)
    %dma_wait3A_186 = arith.constant 2 : i32
    %dma_wait3A_187 = arith.constant 0 : i32
    %dma_wait3A_188 = arith.constant 0 : i32
    %dma_wait3A_189 = tpu.memref_slice %arg6[%dma_wait3A_186, %dma_wait3A_187, %dma_wait3A_188] : memref<4x128x128xf32, #tpu.memory_space<vmem>> -> memref<1x128x128xf32, #tpu.memory_space<vmem>>
    %dma_wait3A_190 = tpu.memref_squeeze %dma_wait3A_189 : memref<1x128x128xf32, #tpu.memory_space<vmem>> -> memref<128x128xf32, #tpu.memory_space<vmem>>
    %dma_wait3A_191 = arith.constant 0 : i32
    %dma_wait3A_192 = tpu.memref_slice %arg4[%add3A_172, %dma_wait3A_191] : memref<32768x128xf32, #tpu.memory_space<hbm>> -> memref<128x128xf32, #tpu.memory_space<hbm>>
    %dma_wait3A_193 = arith.constant 0 : i32
    %dma_wait3A_194 = tpu.memref_slice %arg4[%add3A_172, %dma_wait3A_193] : memref<32768x128xf32, #tpu.memory_space<hbm>> -> memref<128x128xf32, #tpu.memory_space<hbm>>
    %dma_wait3A_195 = arith.constant 0 : i32
    %dma_wait3A_196 = arith.constant 0 : i32
    %dma_wait3A_197 = tpu.memref_slice %arg6[%dma_wait3A_186, %dma_wait3A_195, %dma_wait3A_196] : memref<4x128x128xf32, #tpu.memory_space<vmem>> -> memref<1x128x128xf32, #tpu.memory_space<vmem>>
    %dma_wait3A_198 = tpu.memref_squeeze %dma_wait3A_197 : memref<1x128x128xf32, #tpu.memory_space<vmem>> -> memref<128x128xf32, #tpu.memory_space<vmem>>
    tpu.wait_dma2 semaphore(%arg14 : memref<!tpu.dma_semaphore, #tpu.memory_space<semaphore_mem>>) src(%dma_wait3A_198 : memref<128x128xf32, #tpu.memory_space<vmem>>) dst(%dma_wait3A_194 : memref<128x128xf32, #tpu.memory_space<hbm>>)
    %dma_start3A_199 = arith.constant 6 : i32
    %dma_start3A_200 = arith.constant 2 : i32
    %dma_start3A_201 = arith.constant 0 : i32
    %dma_start3A_202 = arith.constant 0 : i32
    %dma_start3A_203 = tpu.memref_slice %arg6[%dma_start3A_200, %dma_start3A_201, %dma_start3A_202] : memref<4x128x128xf32, #tpu.memory_space<vmem>> -> memref<1x128x128xf32, #tpu.memory_space<vmem>>
    %dma_start3A_204 = tpu.memref_squeeze %dma_start3A_203 : memref<1x128x128xf32, #tpu.memory_space<vmem>> -> memref<128x128xf32, #tpu.memory_space<vmem>>
    %dma_start3A_205 = arith.constant 0 : i32
    %dma_start3A_206 = tpu.memref_slice %arg5[%dma_start3A_199, %dma_start3A_205] : memref<8x128xi32, #tpu.memory_space<vmem>> -> memref<1x128xi32, #tpu.memory_space<vmem>>
    %dma_start3A_207 = tpu.memref_squeeze %dma_start3A_206 : memref<1x128xi32, #tpu.memory_space<vmem>> -> memref<128xi32, #tpu.memory_space<vmem>>
    %dma_start3A_208 = arith.constant 0 : i32
    %dma_start3A_209 = arith.constant 0 : i32
    %dma_start3A_210 = tpu.memref_slice %arg7[%dma_start3A_208, %dma_start3A_209] : memref<300x128xf32, #tpu.memory_space<vmem_shared>> -> memref<300x128xf32, #tpu.memory_space<vmem_shared>>
    tpu.enqueue_indirect_dma source(%dma_start3A_210 : memref<300x128xf32, #tpu.memory_space<vmem_shared>>) target(%dma_start3A_204 : memref<128x128xf32, #tpu.memory_space<vmem>>) offsets(%dma_start3A_207 : memref<128xi32, #tpu.memory_space<vmem>>) semaphore(%arg10 : memref<!tpu.dma_semaphore, #tpu.memory_space<semaphore_mem>>)
    %dma_wait3A_211 = arith.constant 3 : i32
    %dma_wait3A_212 = arith.constant 3 : i32
    %dma_wait3A_213 = arith.constant 0 : i32
    %dma_wait3A_214 = arith.constant 0 : i32
    %dma_wait3A_215 = tpu.memref_slice %arg6[%dma_wait3A_212, %dma_wait3A_213, %dma_wait3A_214] : memref<4x128x128xf32, #tpu.memory_space<vmem>> -> memref<1x128x128xf32, #tpu.memory_space<vmem>>
    %dma_wait3A_216 = tpu.memref_squeeze %dma_wait3A_215 : memref<1x128x128xf32, #tpu.memory_space<vmem>> -> memref<128x128xf32, #tpu.memory_space<vmem>>
    %dma_wait3A_217 = arith.constant 0 : i32
    %dma_wait3A_218 = tpu.memref_slice %arg5[%dma_wait3A_211, %dma_wait3A_217] : memref<8x128xi32, #tpu.memory_space<vmem>> -> memref<1x128xi32, #tpu.memory_space<vmem>>
    %dma_wait3A_219 = tpu.memref_squeeze %dma_wait3A_218 : memref<1x128xi32, #tpu.memory_space<vmem>> -> memref<128xi32, #tpu.memory_space<vmem>>
    %dma_wait3A_220 = arith.constant 0 : i32
    %dma_wait3A_221 = arith.constant 0 : i32
    %dma_wait3A_222 = tpu.memref_slice %arg7[%dma_wait3A_220, %dma_wait3A_221] : memref<300x128xf32, #tpu.memory_space<vmem_shared>> -> memref<300x128xf32, #tpu.memory_space<vmem_shared>>
    tpu.wait_indirect_dma semaphore(%arg11 : memref<!tpu.dma_semaphore, #tpu.memory_space<semaphore_mem>>) src(%dma_wait3A_222 : memref<300x128xf32, #tpu.memory_space<vmem_shared>>) dst(%dma_wait3A_216 : memref<128x128xf32, #tpu.memory_space<vmem>>)
    %add3A_223 = arith.constant 384 : i32
    %add3A_224 = arith.addi %mul3A_4, %add3A_223 : i32
    %dma_start3A_225 = arith.constant 3 : i32
    %dma_start3A_226 = arith.constant 0 : i32
    %dma_start3A_227 = arith.constant 0 : i32
    %dma_start3A_228 = tpu.memref_slice %arg6[%dma_start3A_225, %dma_start3A_226, %dma_start3A_227] : memref<4x128x128xf32, #tpu.memory_space<vmem>> -> memref<1x128x128xf32, #tpu.memory_space<vmem>>
    %dma_start3A_229 = tpu.memref_squeeze %dma_start3A_228 : memref<1x128x128xf32, #tpu.memory_space<vmem>> -> memref<128x128xf32, #tpu.memory_space<vmem>>
    %dma_start3A_230 = arith.constant 0 : i32
    %dma_start3A_231 = tpu.memref_slice %arg4[%add3A_224, %dma_start3A_230] : memref<32768x128xf32, #tpu.memory_space<hbm>> -> memref<128x128xf32, #tpu.memory_space<hbm>>
    %dma_start3A_232 = arith.constant 0 : i32
    %dma_start3A_233 = tpu.memref_slice %arg4[%add3A_224, %dma_start3A_232] : memref<32768x128xf32, #tpu.memory_space<hbm>> -> memref<128x128xf32, #tpu.memory_space<hbm>>
    %dma_start3A_234 = arith.constant 0 : i32
    %dma_start3A_235 = arith.constant 0 : i32
    %dma_start3A_236 = tpu.memref_slice %arg6[%dma_start3A_225, %dma_start3A_234, %dma_start3A_235] : memref<4x128x128xf32, #tpu.memory_space<vmem>> -> memref<1x128x128xf32, #tpu.memory_space<vmem>>
    %dma_start3A_237 = tpu.memref_squeeze %dma_start3A_236 : memref<1x128x128xf32, #tpu.memory_space<vmem>> -> memref<128x128xf32, #tpu.memory_space<vmem>>
    tpu.enqueue_dma source(%dma_start3A_237 : memref<128x128xf32, #tpu.memory_space<vmem>>) target(%dma_start3A_233 : memref<128x128xf32, #tpu.memory_space<hbm>>) target_semaphore(%arg15 : memref<!tpu.dma_semaphore, #tpu.memory_space<semaphore_mem>>)
    %dma_wait3A_238 = arith.constant 3 : i32
    %dma_wait3A_239 = arith.constant 0 : i32
    %dma_wait3A_240 = arith.constant 0 : i32
    %dma_wait3A_241 = tpu.memref_slice %arg6[%dma_wait3A_238, %dma_wait3A_239, %dma_wait3A_240] : memref<4x128x128xf32, #tpu.memory_space<vmem>> -> memref<1x128x128xf32, #tpu.memory_space<vmem>>
    %dma_wait3A_242 = tpu.memref_squeeze %dma_wait3A_241 : memref<1x128x128xf32, #tpu.memory_space<vmem>> -> memref<128x128xf32, #tpu.memory_space<vmem>>
    %dma_wait3A_243 = arith.constant 0 : i32
    %dma_wait3A_244 = tpu.memref_slice %arg4[%add3A_224, %dma_wait3A_243] : memref<32768x128xf32, #tpu.memory_space<hbm>> -> memref<128x128xf32, #tpu.memory_space<hbm>>
    %dma_wait3A_245 = arith.constant 0 : i32
    %dma_wait3A_246 = tpu.memref_slice %arg4[%add3A_224, %dma_wait3A_245] : memref<32768x128xf32, #tpu.memory_space<hbm>> -> memref<128x128xf32, #tpu.memory_space<hbm>>
    %dma_wait3A_247 = arith.constant 0 : i32
    %dma_wait3A_248 = arith.constant 0 : i32
    %dma_wait3A_249 = tpu.memref_slice %arg6[%dma_wait3A_238, %dma_wait3A_247, %dma_wait3A_248] : memref<4x128x128xf32, #tpu.memory_space<vmem>> -> memref<1x128x128xf32, #tpu.memory_space<vmem>>
    %dma_wait3A_250 = tpu.memref_squeeze %dma_wait3A_249 : memref<1x128x128xf32, #tpu.memory_space<vmem>> -> memref<128x128xf32, #tpu.memory_space<vmem>>
    tpu.wait_dma2 semaphore(%arg15 : memref<!tpu.dma_semaphore, #tpu.memory_space<semaphore_mem>>) src(%dma_wait3A_250 : memref<128x128xf32, #tpu.memory_space<vmem>>) dst(%dma_wait3A_246 : memref<128x128xf32, #tpu.memory_space<hbm>>)
    %dma_start3A_251 = arith.constant 7 : i32
    %dma_start3A_252 = arith.constant 3 : i32
    %dma_start3A_253 = arith.constant 0 : i32
    %dma_start3A_254 = arith.constant 0 : i32
    %dma_start3A_255 = tpu.memref_slice %arg6[%dma_start3A_252, %dma_start3A_253, %dma_start3A_254] : memref<4x128x128xf32, #tpu.memory_space<vmem>> -> memref<1x128x128xf32, #tpu.memory_space<vmem>>
    %dma_start3A_256 = tpu.memref_squeeze %dma_start3A_255 : memref<1x128x128xf32, #tpu.memory_space<vmem>> -> memref<128x128xf32, #tpu.memory_space<vmem>>
    %dma_start3A_257 = arith.constant 0 : i32
    %dma_start3A_258 = tpu.memref_slice %arg5[%dma_start3A_251, %dma_start3A_257] : memref<8x128xi32, #tpu.memory_space<vmem>> -> memref<1x128xi32, #tpu.memory_space<vmem>>
    %dma_start3A_259 = tpu.memref_squeeze %dma_start3A_258 : memref<1x128xi32, #tpu.memory_space<vmem>> -> memref<128xi32, #tpu.memory_space<vmem>>
    %dma_start3A_260 = arith.constant 0 : i32
    %dma_start3A_261 = arith.constant 0 : i32
    %dma_start3A_262 = tpu.memref_slice %arg7[%dma_start3A_260, %dma_start3A_261] : memref<300x128xf32, #tpu.memory_space<vmem_shared>> -> memref<300x128xf32, #tpu.memory_space<vmem_shared>>
    tpu.enqueue_indirect_dma source(%dma_start3A_262 : memref<300x128xf32, #tpu.memory_space<vmem_shared>>) target(%dma_start3A_256 : memref<128x128xf32, #tpu.memory_space<vmem>>) offsets(%dma_start3A_259 : memref<128xi32, #tpu.memory_space<vmem>>) semaphore(%arg11 : memref<!tpu.dma_semaphore, #tpu.memory_space<semaphore_mem>>)
    %dma_wait3A_263 = arith.constant 4 : i32
    %dma_wait3A_264 = arith.constant 0 : i32
    %dma_wait3A_265 = arith.constant 0 : i32
    %dma_wait3A_266 = arith.constant 0 : i32
    %dma_wait3A_267 = tpu.memref_slice %arg6[%dma_wait3A_264, %dma_wait3A_265, %dma_wait3A_266] : memref<4x128x128xf32, #tpu.memory_space<vmem>> -> memref<1x128x128xf32, #tpu.memory_space<vmem>>
    %dma_wait3A_268 = tpu.memref_squeeze %dma_wait3A_267 : memref<1x128x128xf32, #tpu.memory_space<vmem>> -> memref<128x128xf32, #tpu.memory_space<vmem>>
    %dma_wait3A_269 = arith.constant 0 : i32
    %dma_wait3A_270 = tpu.memref_slice %arg5[%dma_wait3A_263, %dma_wait3A_269] : memref<8x128xi32, #tpu.memory_space<vmem>> -> memref<1x128xi32, #tpu.memory_space<vmem>>
    %dma_wait3A_271 = tpu.memref_squeeze %dma_wait3A_270 : memref<1x128xi32, #tpu.memory_space<vmem>> -> memref<128xi32, #tpu.memory_space<vmem>>
    %dma_wait3A_272 = arith.constant 0 : i32
    %dma_wait3A_273 = arith.constant 0 : i32
    %dma_wait3A_274 = tpu.memref_slice %arg7[%dma_wait3A_272, %dma_wait3A_273] : memref<300x128xf32, #tpu.memory_space<vmem_shared>> -> memref<300x128xf32, #tpu.memory_space<vmem_shared>>
    tpu.wait_indirect_dma semaphore(%arg8 : memref<!tpu.dma_semaphore, #tpu.memory_space<semaphore_mem>>) src(%dma_wait3A_274 : memref<300x128xf32, #tpu.memory_space<vmem_shared>>) dst(%dma_wait3A_268 : memref<128x128xf32, #tpu.memory_space<vmem>>)
    %add3A_275 = arith.constant 512 : i32
    %add3A_276 = arith.addi %mul3A_4, %add3A_275 : i32
    %dma_start3A_277 = arith.constant 0 : i32
    %dma_start3A_278 = arith.constant 0 : i32
    %dma_start3A_279 = arith.constant 0 : i32
    %dma_start3A_280 = tpu.memref_slice %arg6[%dma_start3A_277, %dma_start3A_278, %dma_start3A_279] : memref<4x128x128xf32, #tpu.memory_space<vmem>> -> memref<1x128x128xf32, #tpu.memory_space<vmem>>
    %dma_start3A_281 = tpu.memref_squeeze %dma_start3A_280 : memref<1x128x128xf32, #tpu.memory_space<vmem>> -> memref<128x128xf32, #tpu.memory_space<vmem>>
    %dma_start3A_282 = arith.constant 0 : i32
    %dma_start3A_283 = tpu.memref_slice %arg4[%add3A_276, %dma_start3A_282] : memref<32768x128xf32, #tpu.memory_space<hbm>> -> memref<128x128xf32, #tpu.memory_space<hbm>>
    %dma_start3A_284 = arith.constant 0 : i32
    %dma_start3A_285 = tpu.memref_slice %arg4[%add3A_276, %dma_start3A_284] : memref<32768x128xf32, #tpu.memory_space<hbm>> -> memref<128x128xf32, #tpu.memory_space<hbm>>
    %dma_start3A_286 = arith.constant 0 : i32
    %dma_start3A_287 = arith.constant 0 : i32
    %dma_start3A_288 = tpu.memref_slice %arg6[%dma_start3A_277, %dma_start3A_286, %dma_start3A_287] : memref<4x128x128xf32, #tpu.memory_space<vmem>> -> memref<1x128x128xf32, #tpu.memory_space<vmem>>
    %dma_start3A_289 = tpu.memref_squeeze %dma_start3A_288 : memref<1x128x128xf32, #tpu.memory_space<vmem>> -> memref<128x128xf32, #tpu.memory_space<vmem>>
    tpu.enqueue_dma source(%dma_start3A_289 : memref<128x128xf32, #tpu.memory_space<vmem>>) target(%dma_start3A_285 : memref<128x128xf32, #tpu.memory_space<hbm>>) target_semaphore(%arg12 : memref<!tpu.dma_semaphore, #tpu.memory_space<semaphore_mem>>)
    %dma_wait3A_290 = arith.constant 5 : i32
    %dma_wait3A_291 = arith.constant 1 : i32
    %dma_wait3A_292 = arith.constant 0 : i32
    %dma_wait3A_293 = arith.constant 0 : i32
    %dma_wait3A_294 = tpu.memref_slice %arg6[%dma_wait3A_291, %dma_wait3A_292, %dma_wait3A_293] : memref<4x128x128xf32, #tpu.memory_space<vmem>> -> memref<1x128x128xf32, #tpu.memory_space<vmem>>
    %dma_wait3A_295 = tpu.memref_squeeze %dma_wait3A_294 : memref<1x128x128xf32, #tpu.memory_space<vmem>> -> memref<128x128xf32, #tpu.memory_space<vmem>>
    %dma_wait3A_296 = arith.constant 0 : i32
    %dma_wait3A_297 = tpu.memref_slice %arg5[%dma_wait3A_290, %dma_wait3A_296] : memref<8x128xi32, #tpu.memory_space<vmem>> -> memref<1x128xi32, #tpu.memory_space<vmem>>
    %dma_wait3A_298 = tpu.memref_squeeze %dma_wait3A_297 : memref<1x128xi32, #tpu.memory_space<vmem>> -> memref<128xi32, #tpu.memory_space<vmem>>
    %dma_wait3A_299 = arith.constant 0 : i32
    %dma_wait3A_300 = arith.constant 0 : i32
    %dma_wait3A_301 = tpu.memref_slice %arg7[%dma_wait3A_299, %dma_wait3A_300] : memref<300x128xf32, #tpu.memory_space<vmem_shared>> -> memref<300x128xf32, #tpu.memory_space<vmem_shared>>
    tpu.wait_indirect_dma semaphore(%arg9 : memref<!tpu.dma_semaphore, #tpu.memory_space<semaphore_mem>>) src(%dma_wait3A_301 : memref<300x128xf32, #tpu.memory_space<vmem_shared>>) dst(%dma_wait3A_295 : memref<128x128xf32, #tpu.memory_space<vmem>>)
    %add3A_302 = arith.constant 640 : i32
    %add3A_303 = arith.addi %mul3A_4, %add3A_302 : i32
    %dma_start3A_304 = arith.constant 1 : i32
    %dma_start3A_305 = arith.constant 0 : i32
    %dma_start3A_306 = arith.constant 0 : i32
    %dma_start3A_307 = tpu.memref_slice %arg6[%dma_start3A_304, %dma_start3A_305, %dma_start3A_306] : memref<4x128x128xf32, #tpu.memory_space<vmem>> -> memref<1x128x128xf32, #tpu.memory_space<vmem>>
    %dma_start3A_308 = tpu.memref_squeeze %dma_start3A_307 : memref<1x128x128xf32, #tpu.memory_space<vmem>> -> memref<128x128xf32, #tpu.memory_space<vmem>>
    %dma_start3A_309 = arith.constant 0 : i32
    %dma_start3A_310 = tpu.memref_slice %arg4[%add3A_303, %dma_start3A_309] : memref<32768x128xf32, #tpu.memory_space<hbm>> -> memref<128x128xf32, #tpu.memory_space<hbm>>
    %dma_start3A_311 = arith.constant 0 : i32
    %dma_start3A_312 = tpu.memref_slice %arg4[%add3A_303, %dma_start3A_311] : memref<32768x128xf32, #tpu.memory_space<hbm>> -> memref<128x128xf32, #tpu.memory_space<hbm>>
    %dma_start3A_313 = arith.constant 0 : i32
    %dma_start3A_314 = arith.constant 0 : i32
    %dma_start3A_315 = tpu.memref_slice %arg6[%dma_start3A_304, %dma_start3A_313, %dma_start3A_314] : memref<4x128x128xf32, #tpu.memory_space<vmem>> -> memref<1x128x128xf32, #tpu.memory_space<vmem>>
    %dma_start3A_316 = tpu.memref_squeeze %dma_start3A_315 : memref<1x128x128xf32, #tpu.memory_space<vmem>> -> memref<128x128xf32, #tpu.memory_space<vmem>>
    tpu.enqueue_dma source(%dma_start3A_316 : memref<128x128xf32, #tpu.memory_space<vmem>>) target(%dma_start3A_312 : memref<128x128xf32, #tpu.memory_space<hbm>>) target_semaphore(%arg13 : memref<!tpu.dma_semaphore, #tpu.memory_space<semaphore_mem>>)
    %dma_wait3A_317 = arith.constant 6 : i32
    %dma_wait3A_318 = arith.constant 2 : i32
    %dma_wait3A_319 = arith.constant 0 : i32
    %dma_wait3A_320 = arith.constant 0 : i32
    %dma_wait3A_321 = tpu.memref_slice %arg6[%dma_wait3A_318, %dma_wait3A_319, %dma_wait3A_320] : memref<4x128x128xf32, #tpu.memory_space<vmem>> -> memref<1x128x128xf32, #tpu.memory_space<vmem>>
    %dma_wait3A_322 = tpu.memref_squeeze %dma_wait3A_321 : memref<1x128x128xf32, #tpu.memory_space<vmem>> -> memref<128x128xf32, #tpu.memory_space<vmem>>
    %dma_wait3A_323 = arith.constant 0 : i32
    %dma_wait3A_324 = tpu.memref_slice %arg5[%dma_wait3A_317, %dma_wait3A_323] : memref<8x128xi32, #tpu.memory_space<vmem>> -> memref<1x128xi32, #tpu.memory_space<vmem>>
    %dma_wait3A_325 = tpu.memref_squeeze %dma_wait3A_324 : memref<1x128xi32, #tpu.memory_space<vmem>> -> memref<128xi32, #tpu.memory_space<vmem>>
    %dma_wait3A_326 = arith.constant 0 : i32
    %dma_wait3A_327 = arith.constant 0 : i32
    %dma_wait3A_328 = tpu.memref_slice %arg7[%dma_wait3A_326, %dma_wait3A_327] : memref<300x128xf32, #tpu.memory_space<vmem_shared>> -> memref<300x128xf32, #tpu.memory_space<vmem_shared>>
    tpu.wait_indirect_dma semaphore(%arg10 : memref<!tpu.dma_semaphore, #tpu.memory_space<semaphore_mem>>) src(%dma_wait3A_328 : memref<300x128xf32, #tpu.memory_space<vmem_shared>>) dst(%dma_wait3A_322 : memref<128x128xf32, #tpu.memory_space<vmem>>)
    %add3A_329 = arith.constant 768 : i32
    %add3A_330 = arith.addi %mul3A_4, %add3A_329 : i32
    %dma_start3A_331 = arith.constant 2 : i32
    %dma_start3A_332 = arith.constant 0 : i32
    %dma_start3A_333 = arith.constant 0 : i32
    %dma_start3A_334 = tpu.memref_slice %arg6[%dma_start3A_331, %dma_start3A_332, %dma_start3A_333] : memref<4x128x128xf32, #tpu.memory_space<vmem>> -> memref<1x128x128xf32, #tpu.memory_space<vmem>>
    %dma_start3A_335 = tpu.memref_squeeze %dma_start3A_334 : memref<1x128x128xf32, #tpu.memory_space<vmem>> -> memref<128x128xf32, #tpu.memory_space<vmem>>
    %dma_start3A_336 = arith.constant 0 : i32
    %dma_start3A_337 = tpu.memref_slice %arg4[%add3A_330, %dma_start3A_336] : memref<32768x128xf32, #tpu.memory_space<hbm>> -> memref<128x128xf32, #tpu.memory_space<hbm>>
    %dma_start3A_338 = arith.constant 0 : i32
    %dma_start3A_339 = tpu.memref_slice %arg4[%add3A_330, %dma_start3A_338] : memref<32768x128xf32, #tpu.memory_space<hbm>> -> memref<128x128xf32, #tpu.memory_space<hbm>>
    %dma_start3A_340 = arith.constant 0 : i32
    %dma_start3A_341 = arith.constant 0 : i32
    %dma_start3A_342 = tpu.memref_slice %arg6[%dma_start3A_331, %dma_start3A_340, %dma_start3A_341] : memref<4x128x128xf32, #tpu.memory_space<vmem>> -> memref<1x128x128xf32, #tpu.memory_space<vmem>>
    %dma_start3A_343 = tpu.memref_squeeze %dma_start3A_342 : memref<1x128x128xf32, #tpu.memory_space<vmem>> -> memref<128x128xf32, #tpu.memory_space<vmem>>
    tpu.enqueue_dma source(%dma_start3A_343 : memref<128x128xf32, #tpu.memory_space<vmem>>) target(%dma_start3A_339 : memref<128x128xf32, #tpu.memory_space<hbm>>) target_semaphore(%arg14 : memref<!tpu.dma_semaphore, #tpu.memory_space<semaphore_mem>>)
    %dma_wait3A_344 = arith.constant 7 : i32
    %dma_wait3A_345 = arith.constant 3 : i32
    %dma_wait3A_346 = arith.constant 0 : i32
    %dma_wait3A_347 = arith.constant 0 : i32
    %dma_wait3A_348 = tpu.memref_slice %arg6[%dma_wait3A_345, %dma_wait3A_346, %dma_wait3A_347] : memref<4x128x128xf32, #tpu.memory_space<vmem>> -> memref<1x128x128xf32, #tpu.memory_space<vmem>>
    %dma_wait3A_349 = tpu.memref_squeeze %dma_wait3A_348 : memref<1x128x128xf32, #tpu.memory_space<vmem>> -> memref<128x128xf32, #tpu.memory_space<vmem>>
    %dma_wait3A_350 = arith.constant 0 : i32
    %dma_wait3A_351 = tpu.memref_slice %arg5[%dma_wait3A_344, %dma_wait3A_350] : memref<8x128xi32, #tpu.memory_space<vmem>> -> memref<1x128xi32, #tpu.memory_space<vmem>>
    %dma_wait3A_352 = tpu.memref_squeeze %dma_wait3A_351 : memref<1x128xi32, #tpu.memory_space<vmem>> -> memref<128xi32, #tpu.memory_space<vmem>>
    %dma_wait3A_353 = arith.constant 0 : i32
    %dma_wait3A_354 = arith.constant 0 : i32
    %dma_wait3A_355 = tpu.memref_slice %arg7[%dma_wait3A_353, %dma_wait3A_354] : memref<300x128xf32, #tpu.memory_space<vmem_shared>> -> memref<300x128xf32, #tpu.memory_space<vmem_shared>>
    tpu.wait_indirect_dma semaphore(%arg11 : memref<!tpu.dma_semaphore, #tpu.memory_space<semaphore_mem>>) src(%dma_wait3A_355 : memref<300x128xf32, #tpu.memory_space<vmem_shared>>) dst(%dma_wait3A_349 : memref<128x128xf32, #tpu.memory_space<vmem>>)
    %add3A_356 = arith.constant 896 : i32
    %add3A_357 = arith.addi %mul3A_4, %add3A_356 : i32
    %dma_start3A_358 = arith.constant 3 : i32
    %dma_start3A_359 = arith.constant 0 : i32
    %dma_start3A_360 = arith.constant 0 : i32
    %dma_start3A_361 = tpu.memref_slice %arg6[%dma_start3A_358, %dma_start3A_359, %dma_start3A_360] : memref<4x128x128xf32, #tpu.memory_space<vmem>> -> memref<1x128x128xf32, #tpu.memory_space<vmem>>
    %dma_start3A_362 = tpu.memref_squeeze %dma_start3A_361 : memref<1x128x128xf32, #tpu.memory_space<vmem>> -> memref<128x128xf32, #tpu.memory_space<vmem>>
    %dma_start3A_363 = arith.constant 0 : i32
    %dma_start3A_364 = tpu.memref_slice %arg4[%add3A_357, %dma_start3A_363] : memref<32768x128xf32, #tpu.memory_space<hbm>> -> memref<128x128xf32, #tpu.memory_space<hbm>>
    %dma_start3A_365 = arith.constant 0 : i32
    %dma_start3A_366 = tpu.memref_slice %arg4[%add3A_357, %dma_start3A_365] : memref<32768x128xf32, #tpu.memory_space<hbm>> -> memref<128x128xf32, #tpu.memory_space<hbm>>
    %dma_start3A_367 = arith.constant 0 : i32
    %dma_start3A_368 = arith.constant 0 : i32
    %dma_start3A_369 = tpu.memref_slice %arg6[%dma_start3A_358, %dma_start3A_367, %dma_start3A_368] : memref<4x128x128xf32, #tpu.memory_space<vmem>> -> memref<1x128x128xf32, #tpu.memory_space<vmem>>
    %dma_start3A_370 = tpu.memref_squeeze %dma_start3A_369 : memref<1x128x128xf32, #tpu.memory_space<vmem>> -> memref<128x128xf32, #tpu.memory_space<vmem>>
    tpu.enqueue_dma source(%dma_start3A_370 : memref<128x128xf32, #tpu.memory_space<vmem>>) target(%dma_start3A_366 : memref<128x128xf32, #tpu.memory_space<hbm>>) target_semaphore(%arg15 : memref<!tpu.dma_semaphore, #tpu.memory_space<semaphore_mem>>)
    %dma_wait3A_371 = arith.constant 0 : i32
    %dma_wait3A_372 = arith.constant 0 : i32
    %dma_wait3A_373 = arith.constant 0 : i32
    %dma_wait3A_374 = tpu.memref_slice %arg6[%dma_wait3A_371, %dma_wait3A_372, %dma_wait3A_373] : memref<4x128x128xf32, #tpu.memory_space<vmem>> -> memref<1x128x128xf32, #tpu.memory_space<vmem>>
    %dma_wait3A_375 = tpu.memref_squeeze %dma_wait3A_374 : memref<1x128x128xf32, #tpu.memory_space<vmem>> -> memref<128x128xf32, #tpu.memory_space<vmem>>
    %dma_wait3A_376 = arith.constant 0 : i32
    %dma_wait3A_377 = tpu.memref_slice %arg4[%add3A_276, %dma_wait3A_376] : memref<32768x128xf32, #tpu.memory_space<hbm>> -> memref<128x128xf32, #tpu.memory_space<hbm>>
    %dma_wait3A_378 = arith.constant 0 : i32
    %dma_wait3A_379 = tpu.memref_slice %arg4[%add3A_276, %dma_wait3A_378] : memref<32768x128xf32, #tpu.memory_space<hbm>> -> memref<128x128xf32, #tpu.memory_space<hbm>>
    %dma_wait3A_380 = arith.constant 0 : i32
    %dma_wait3A_381 = arith.constant 0 : i32
    %dma_wait3A_382 = tpu.memref_slice %arg6[%dma_wait3A_371, %dma_wait3A_380, %dma_wait3A_381] : memref<4x128x128xf32, #tpu.memory_space<vmem>> -> memref<1x128x128xf32, #tpu.memory_space<vmem>>
    %dma_wait3A_383 = tpu.memref_squeeze %dma_wait3A_382 : memref<1x128x128xf32, #tpu.memory_space<vmem>> -> memref<128x128xf32, #tpu.memory_space<vmem>>
    tpu.wait_dma2 semaphore(%arg12 : memref<!tpu.dma_semaphore, #tpu.memory_space<semaphore_mem>>) src(%dma_wait3A_383 : memref<128x128xf32, #tpu.memory_space<vmem>>) dst(%dma_wait3A_379 : memref<128x128xf32, #tpu.memory_space<hbm>>)
    %dma_wait3A_384 = arith.constant 1 : i32
    %dma_wait3A_385 = arith.constant 0 : i32
    %dma_wait3A_386 = arith.constant 0 : i32
    %dma_wait3A_387 = tpu.memref_slice %arg6[%dma_wait3A_384, %dma_wait3A_385, %dma_wait3A_386] : memref<4x128x128xf32, #tpu.memory_space<vmem>> -> memref<1x128x128xf32, #tpu.memory_space<vmem>>
    %dma_wait3A_388 = tpu.memref_squeeze %dma_wait3A_387 : memref<1x128x128xf32, #tpu.memory_space<vmem>> -> memref<128x128xf32, #tpu.memory_space<vmem>>
    %dma_wait3A_389 = arith.constant 0 : i32
    %dma_wait3A_390 = tpu.memref_slice %arg4[%add3A_303, %dma_wait3A_389] : memref<32768x128xf32, #tpu.memory_space<hbm>> -> memref<128x128xf32, #tpu.memory_space<hbm>>
    %dma_wait3A_391 = arith.constant 0 : i32
    %dma_wait3A_392 = tpu.memref_slice %arg4[%add3A_303, %dma_wait3A_391] : memref<32768x128xf32, #tpu.memory_space<hbm>> -> memref<128x128xf32, #tpu.memory_space<hbm>>
    %dma_wait3A_393 = arith.constant 0 : i32
    %dma_wait3A_394 = arith.constant 0 : i32
    %dma_wait3A_395 = tpu.memref_slice %arg6[%dma_wait3A_384, %dma_wait3A_393, %dma_wait3A_394] : memref<4x128x128xf32, #tpu.memory_space<vmem>> -> memref<1x128x128xf32, #tpu.memory_space<vmem>>
    %dma_wait3A_396 = tpu.memref_squeeze %dma_wait3A_395 : memref<1x128x128xf32, #tpu.memory_space<vmem>> -> memref<128x128xf32, #tpu.memory_space<vmem>>
    tpu.wait_dma2 semaphore(%arg13 : memref<!tpu.dma_semaphore, #tpu.memory_space<semaphore_mem>>) src(%dma_wait3A_396 : memref<128x128xf32, #tpu.memory_space<vmem>>) dst(%dma_wait3A_392 : memref<128x128xf32, #tpu.memory_space<hbm>>)
    %dma_wait3A_397 = arith.constant 2 : i32
    %dma_wait3A_398 = arith.constant 0 : i32
    %dma_wait3A_399 = arith.constant 0 : i32
    %dma_wait3A_400 = tpu.memref_slice %arg6[%dma_wait3A_397, %dma_wait3A_398, %dma_wait3A_399] : memref<4x128x128xf32, #tpu.memory_space<vmem>> -> memref<1x128x128xf32, #tpu.memory_space<vmem>>
    %dma_wait3A_401 = tpu.memref_squeeze %dma_wait3A_400 : memref<1x128x128xf32, #tpu.memory_space<vmem>> -> memref<128x128xf32, #tpu.memory_space<vmem>>
    %dma_wait3A_402 = arith.constant 0 : i32
    %dma_wait3A_403 = tpu.memref_slice %arg4[%add3A_330, %dma_wait3A_402] : memref<32768x128xf32, #tpu.memory_space<hbm>> -> memref<128x128xf32, #tpu.memory_space<hbm>>
    %dma_wait3A_404 = arith.constant 0 : i32
    %dma_wait3A_405 = tpu.memref_slice %arg4[%add3A_330, %dma_wait3A_404] : memref<32768x128xf32, #tpu.memory_space<hbm>> -> memref<128x128xf32, #tpu.memory_space<hbm>>
    %dma_wait3A_406 = arith.constant 0 : i32
    %dma_wait3A_407 = arith.constant 0 : i32
    %dma_wait3A_408 = tpu.memref_slice %arg6[%dma_wait3A_397, %dma_wait3A_406, %dma_wait3A_407] : memref<4x128x128xf32, #tpu.memory_space<vmem>> -> memref<1x128x128xf32, #tpu.memory_space<vmem>>
    %dma_wait3A_409 = tpu.memref_squeeze %dma_wait3A_408 : memref<1x128x128xf32, #tpu.memory_space<vmem>> -> memref<128x128xf32, #tpu.memory_space<vmem>>
    tpu.wait_dma2 semaphore(%arg14 : memref<!tpu.dma_semaphore, #tpu.memory_space<semaphore_mem>>) src(%dma_wait3A_409 : memref<128x128xf32, #tpu.memory_space<vmem>>) dst(%dma_wait3A_405 : memref<128x128xf32, #tpu.memory_space<hbm>>)
    %dma_wait3A_410 = arith.constant 3 : i32
    %dma_wait3A_411 = arith.constant 0 : i32
    %dma_wait3A_412 = arith.constant 0 : i32
    %dma_wait3A_413 = tpu.memref_slice %arg6[%dma_wait3A_410, %dma_wait3A_411, %dma_wait3A_412] : memref<4x128x128xf32, #tpu.memory_space<vmem>> -> memref<1x128x128xf32, #tpu.memory_space<vmem>>
    %dma_wait3A_414 = tpu.memref_squeeze %dma_wait3A_413 : memref<1x128x128xf32, #tpu.memory_space<vmem>> -> memref<128x128xf32, #tpu.memory_space<vmem>>
    %dma_wait3A_415 = arith.constant 0 : i32
    %dma_wait3A_416 = tpu.memref_slice %arg4[%add3A_357, %dma_wait3A_415] : memref<32768x128xf32, #tpu.memory_space<hbm>> -> memref<128x128xf32, #tpu.memory_space<hbm>>
    %dma_wait3A_417 = arith.constant 0 : i32
    %dma_wait3A_418 = tpu.memref_slice %arg4[%add3A_357, %dma_wait3A_417] : memref<32768x128xf32, #tpu.memory_space<hbm>> -> memref<128x128xf32, #tpu.memory_space<hbm>>
    %dma_wait3A_419 = arith.constant 0 : i32
    %dma_wait3A_420 = arith.constant 0 : i32
    %dma_wait3A_421 = tpu.memref_slice %arg6[%dma_wait3A_410, %dma_wait3A_419, %dma_wait3A_420] : memref<4x128x128xf32, #tpu.memory_space<vmem>> -> memref<1x128x128xf32, #tpu.memory_space<vmem>>
    %dma_wait3A_422 = tpu.memref_squeeze %dma_wait3A_421 : memref<1x128x128xf32, #tpu.memory_space<vmem>> -> memref<128x128xf32, #tpu.memory_space<vmem>>
    tpu.wait_dma2 semaphore(%arg15 : memref<!tpu.dma_semaphore, #tpu.memory_space<semaphore_mem>>) src(%dma_wait3A_422 : memref<128x128xf32, #tpu.memory_space<vmem>>) dst(%dma_wait3A_418 : memref<128x128xf32, #tpu.memory_space<hbm>>)
    return
  }
}

module attributes {stable_mosaic.version = 14 : i64} {
  func.func @body(%arg0: memref<300x256xf32, #tpu.memory_space<vmem>>, %arg1: memref<80x256xf32, #tpu.memory_space<vmem>>, %arg2: memref<1x80xf32, #tpu.memory_space<vmem>>, %arg3: memref<300x128xf32, #tpu.memory_space<vmem>>) attributes {dimension_semantics = [], scalar_prefetch = 0 : i64, scratch_operands = 0 : i64, tpu.core_type = #tpu.core_type<tc>} {
    %get3A = arith.constant 0 : index
    %get3A_0 = arith.constant 0 : index
    %get3A_1 = vector.load %arg0[%get3A, %get3A_0] : memref<300x256xf32, #tpu.memory_space<vmem>>, vector<300x256xf32>
    %get3A_2 = arith.constant 0 : index
    %get3A_3 = arith.constant 0 : index
    %get3A_4 = vector.load %arg1[%get3A_2, %get3A_3] : memref<80x256xf32, #tpu.memory_space<vmem>>, vector<80x256xf32>
    %dot_general3A = arith.constant dense<0.000000e+00> : vector<300x80xf32>
    %dot_general3A_5 = tpu.matmul %get3A_1, %get3A_4, %dot_general3A {dimension_numbers = #tpu.dot_dimension_numbers<[1], [1], [0], [0], [0, 0, 1, 0], [], []>, transpose_lhs_hint = false} : vector<300x256xf32>, vector<80x256xf32>, vector<300x80xf32> -> vector<300x80xf32>
    %get3A_6 = arith.constant 0 : index
    %get3A_7 = arith.constant 0 : index
    %get3A_8 = vector.load %arg2[%get3A_6, %get3A_7] : memref<1x80xf32, #tpu.memory_space<vmem>>, vector<1x80xf32>
    %add3A = vector.broadcast %get3A_8 : vector<1x80xf32> to vector<300x80xf32>
    %add3A_9 = arith.addf %dot_general3A_5, %add3A : vector<300x80xf32>
    %broadcast_in_dim3A = arith.constant 0.000000e+00 : f32
    %broadcast_in_dim3A_10 = vector.broadcast %broadcast_in_dim3A : f32 to vector<300x48xf32>
    %concatenate3A = tpu.concatenate %add3A_9, %broadcast_in_dim3A_10 in 1 : vector<300x80xf32>, vector<300x48xf32> -> vector<300x128xf32>
    %swap3A = arith.constant 0 : index
    %swap3A_11 = arith.constant 0 : index
    %swap3A_12 = vector.load %arg3[%swap3A, %swap3A_11] : memref<300x128xf32, #tpu.memory_space<vmem>>, vector<300x128xf32>
    tpu.vector_store %arg3[%swap3A, %swap3A_11], %concatenate3A {strides = array<i32>} : memref<300x128xf32, #tpu.memory_space<vmem>>, vector<300x128xf32>,
    return
  }
}

</mosaic_0001>

<sc_bundles>
// kernel: kernel.4.cloned.1.call-start
scs
__scs_entry_jumppad:
0x0: {  	(pc) =	sbr.rel $0x88, $3  }
0x1: {  	(tag) =	ssettag $0x0;
	lr =	simm.s32 $0x1  }
0x2: {  	[smem:$0x3F9D] =	sst lr;
	_ =	strace $0xD0000000  }
0x3: {  	_ = 	snop  }
0x4: {  	_ = 	snop  }
0x5: {  	_ = 	snop  }
0x6: {  	_ = 	snop  }
0x7: {  	_ = 	snop  }
__scs_overlays_trampoline_lowered:
0x8: {  	[smem:$0x3FAC] =	sst s0  }
0x9: {  	[smem:$0x3FAD] =	sst s1  }
0xa: {  	[smem:$0x3FAE] =	sst s2  }
0xb: {  	[smem:$0x3FAF] =	sst s3  }
0xc: {  	[smem:$0x3FB0] =	sst s4  }
0xd: {  	[smem:$0x3FB1] =	sst s5  }
0xe: {  	[smem:$0x3FB2] =	sst s6  }
0xf: {  	[smem:$0x3FB3] =	sst s7  }
0x10: {  	[smem:$0x3FB4] =	sst s8  }
0x11: {  	[smem:$0x3FB5] =	sst s9;
	s0 =	simm.s32 @!p0 $0x0  }
0x12: {  	s1 =	sld [smem:$0x3F9B];
	s0 =	simm.s32 @p0 $0x1  }
0x13: {  	[smem:$0x3FB6] =	sst s0;
	s0 =	simm.s32 @!p1 $0x0  }
0x14: {  	s2 =	sld [smem:$0x3F9A];
	s0 =	simm.s32 @p1 $0x1  }
0x15: {  	[smem:$0x3FB7] =	sst s0;
	s0 =	simm.s32 @!p2 $0x0  }
0x16: {  	s3 =	sld [smem:$0x3FDB];
	s0 =	simm.s32 @p2 $0x1  }
0x17: {  	s4 =	simm.s32 $0x1BF5;
	[smem:$0x3FB9] =	sst s0  }
0x18: {  	s0 =	sld [smem:$0x3F9C];
	_ =	swait.ge [sflag:s4], $0x0  }
0x19: {  	s7 =	sld [smem:$0x3F9D]  }
0x1a: {  	s8 =	sadd.s32 $0xFFFFE003, lr  }
0x1b: {  	s9 =	sadd.s32 $0xFFFFFEF7, lr;
	s5 =	simm.s32 $0xFFFFFFFF;
	p2 =	slt.u32 s8, $0xFFFFF086  }
0x1c: {  	p1 =	slt.u32 s9, $0xF7A;
	s5 =	simm.s32 @!p2 $0x0  }
0x1d: {  	s5 =	simm.s32 @p1 $0x1;
	p0 =	seq.s32 s7, s2  }
0x1e: {  	s7 =	smul.u32 @!p0 $0xF7A, s2;
	p2 =	seq.s32 @!p0 s5, $0x0  }
0x1f: {  	s9 =	smul.u32 $0xF7A, s1;
	s8 =	simm.s32 @!p0 $0x1BF5;
	p2 =	por !p2, p0  }
0x20: {  	[sflag:s8] =	ssyncset.s32 @!p0 $0xFFFFF086;
	s6 =	sadd.s32 @!p0 s3, s7;
	s7 =	simm.s32 @!p0 $0x108  }
0x21: {  	s3 =	sadd.s32 s3, s9;
	s6 =	sadd.s32 @!p0 $0x88, s6;
	s7 =	simm.s32 @p2 $0x1082  }
0x22: {  	[simem:s7], [sflag:s8] =	dma.local @!p0 [hbm:s6], $0xF7A  }
0x23: {  	s9 =	sor.u32 $0xD0000000, s2;
	s6 =	simm.s32 $0x108;
	_ =	swait.ge @!p0 [sflag:s8], $0x0  }
0x24: {  	s3 =	sadd.s32 $0x88, s3;
	s6 =	simm.s32 @!p1 $0x1082;
	[sflag:s4] =	ssyncset.s32 $0xFFFFF086  }
0x25: {  	[simem:s6], [sflag:s4] =	dma.local [hbm:s3], $0xF7A  }
0x26: {  	[smem:$0x3F9D] =	sst s1;
	(tag) =	ssettag s2;
	_ =	strace s9  }
0x27: {  	s1 =	sld [smem:$0x3FAD]  }
0x28: {  	s2 =	sld [smem:$0x3FAE]  }
0x29: {  	s4 =	sld [smem:$0x3FB0]  }
0x2a: {  	p0 =	seq.s32 s5, $0x0;
	s5 =	sld [smem:$0x3FB1]  }
0x2b: {  	s6 =	sld [smem:$0x3FB2]  }
0x2c: {  	s7 =	sld [smem:$0x3FB3]  }
0x2d: {  	s3 =	simm.s32 $0x108;
	s8 =	sld [smem:$0x3FB4]  }
0x2e: {  	s3 =	simm.s32 @!p0 $0x1082;
	s9 =	sld [smem:$0x3FB5]  }
0x2f: {  	lr =	sadd.s32 s0, s3;
	s0 =	sld [smem:$0x3FAC]  }
0x30: {  	s3 =	sld [smem:$0x3FAF]  }
0x31: {  	[smem:$0x3FB8] =	sst s10  }
0x32: {  	s10 =	sld [smem:$0x3FB6];
	_ =	sdelay $0x3  }
0x33: {  	p0 =	seq.s32 s10, $0x1;
	s10 =	sld [smem:$0x3FB8];
	_ =	sdelay $0x3  }
0x34: {  	[smem:$0x3FB8] =	sst s10  }
0x35: {  	s10 =	sld [smem:$0x3FB7];
	_ =	sdelay $0x3  }
0x36: {  	p1 =	seq.s32 s10, $0x1;
	s10 =	sld [smem:$0x3FB8];
	_ =	sdelay $0x3  }
0x37: {  	[smem:$0x3FB8] =	sst s10  }
0x38: {  	s10 =	sld [smem:$0x3FB9]  }
0x39: {  	_ = 	snop;
	(pc) =	sbr.ind lr, $3  }
0x3a: {  	_ = 	snop  }
0x3b: {  	_ = 	snop  }
0x3c: {  	p2 =	seq.s32 s10, $0x1;
	s10 =	sld [smem:$0x3FB8]  }
0x3d: {  	_ =	shalt  }
0x3e: {  	_ =	shalt  }
0x3f: {  	_ =	shalt  }
0x40: {  	_ =	shalt  }
0x41: {  	_ =	shalt  }
0x42: {  	_ =	shalt  }
0x43: {  	_ =	shalt  }
0x44: {  	_ =	shalt  }
0x45: {  	_ =	shalt  }
0x46: {  	_ =	shalt  }
0x47: {  	_ =	shalt  }
0x48: {  	_ =	shalt  }
0x49: {  	_ =	shalt  }
0x4a: {  	_ =	shalt  }
0x4b: {  	_ =	shalt  }
0x4c: {  	_ =	shalt  }
0x4d: {  	_ =	shalt  }
0x4e: {  	_ =	shalt  }
0x4f: {  	_ =	shalt  }
0x50: {  	_ =	shalt  }
0x51: {  	_ =	shalt  }
0x52: {  	_ =	shalt  }
0x53: {  	_ =	shalt  }
0x54: {  	_ =	shalt  }
0x55: {  	_ =	shalt  }
0x56: {  	_ =	shalt  }
0x57: {  	_ =	shalt  }
0x58: {  	_ =	shalt  }
0x59: {  	_ =	shalt  }
0x5a: {  	_ =	shalt  }
0x5b: {  	_ =	shalt  }
0x5c: {  	_ =	shalt  }
0x5d: {  	_ =	shalt  }
0x5e: {  	_ =	shalt  }
0x5f: {  	_ =	shalt  }
0x60: {  	_ =	shalt  }
0x61: {  	_ =	shalt  }
0x62: {  	_ =	shalt  }
0x63: {  	_ =	shalt  }
0x64: {  	_ =	shalt  }
0x65: {  	_ =	shalt  }
0x66: {  	_ =	shalt  }
0x67: {  	_ =	shalt  }
0x68: {  	_ =	shalt  }
0x69: {  	_ =	shalt  }
0x6a: {  	_ =	shalt  }
0x6b: {  	_ =	shalt  }
0x6c: {  	_ =	shalt  }
0x6d: {  	_ =	shalt  }
0x6e: {  	_ =	shalt  }
0x6f: {  	_ =	shalt  }
0x70: {  	_ =	shalt  }
0x71: {  	_ =	shalt  }
0x72: {  	_ =	shalt  }
0x73: {  	_ =	shalt  }
0x74: {  	_ =	shalt  }
0x75: {  	_ =	shalt  }
0x76: {  	_ =	shalt  }
0x77: {  	_ =	shalt  }
0x78: {  	_ =	shalt  }
0x79: {  	_ =	shalt  }
0x7a: {  	_ =	shalt  }
0x7b: {  	_ =	shalt  }
0x7c: {  	_ =	shalt  }
0x7d: {  	_ =	shalt  }
0x7e: {  	_ =	shalt  }
0x7f: {  	_ =	shalt  }
0x80: {  	_ =	shalt  }
0x81: {  	_ =	shalt  }
0x82: {  	_ =	shalt  }
0x83: {  	_ =	shalt  }
0x84: {  	_ =	shalt  }
0x85: {  	_ =	shalt  }
0x86: {  	_ =	shalt  }
0x87: {  	_ =	shalt  }
.Lfunc_end0:
.L_simem_size_0:
called_computation_lowered:
.L_overlay_start_0:
0x88: {  	s2 =	sld [smem:$0x3FD9]  }
0x89: {  	s3 =	sld [smem:$0x3FFE];
	_ =	sdelay $0x1  }
0x8a: {  	s1 =	srdreg.scid  }
0x8b: {  	s0 =	sand.u32 $0x1, s1  }
0x8c: {  	s17 =	sshll.u32 s0, $0xA;
	s2 =	sadd.s32 s3, s2  }
0x8d: {  	s2 =	sadd.s32 s2, s17  }
0x8e: {  	[smem:$0x3FC4] =	sst s2  }
0x8f: {  	_ = 	snop  }
0x90: {  	s2 =	sld [smem:$0x3FD0];
	(tm) =	ssettm $0x1  }
0x91: {  	s18 =	sld [smem:$0x3FFB];
	_ =	sdelay $0x3  }
0x92: {  	_ =	strace s18  }
0x93: {  	s3 =	sld [smem:$0x3FFC];
	_ =	sdelay $0x3  }
0x94: {  	_ =	strace s3  }
0x95: {  	s3 =	sld [smem:$0x3FFD];
	_ =	sdelay $0x3  }
0x96: {  	_ =	strace s3  }
0x97: {  	_ =	strace $0x8FFFFFFF  }
0x98: {  	s19 =	sld [smem:$0x3FDB];
	_ =	sdelay $0x1  }
0x99: {  	s4 =	simm.s32 $_scs_section_size  }
0x9a: {  	s5 =	simm.s32 $_size__tile_overlayer_lowered;
	s6 =	simm.s32 $_tile_overlayer_lowered  }
0x9b: {  	s22 =	simm.s32 $0x1BFF;
	s21 =	sshll.u32 s6, $0x1;
	s3 =	sadd.s32 s4, s19  }
0x9c: {  	s7 =	simm.s32 $0x0;
	s20 =	sshll.u32 s5, $0x1;
	s5 =	sadd.s32 s21, s3  }
0x9d: {  	[timem:s7], [sflag:s22] =	dma.local [hbm:s5], s20  }
0x9e: {  	_ =	swait.ge [sflag:s22], s20  }
0x9f: {  	s4 =	ssub.s32 $0x0, s20;
	[sflag:s22] =	ssyncset.done $0x0  }
0xa0: {  	[sflag:s22] =	ssyncadd.s32 s4;
	_ =	sdelay $0x1  }
0xa1: {  	s23 =	simm.s32 $0x1B8B  }
0xa2: {  	_ =	swait.ge [sflag:s23], $0x1  }
0xa3: {  	[sflag:s23] =	ssyncset.done $0x0  }
0xa4: {  	s25 =	simm.s32 $0x1B8E;
	s24 =	sld [smem:$0x3FFE];
	[sflag:s23] =	ssyncadd.s32 $0xFFFFFFFF  }
0xa5: {  	s26 =	simm.s32 $execute0_lowered;
	[smem:$0x3FD2] =	sst s25  }
0xa6: {  	s5 =	sshll.u32 s26, $0x1;
	_ =	strace $0x80000046;
	[dreg:$0x1] =	wrdreg $0xFFFFFFFF  }
0xa7: {  	s28 =	simm.s32 $_size_execute0_lowered;
	s3 =	sadd.s32 s3, s5;
	[dreg:$0x0] =	wrdreg $0x0  }
0xa8: {  	s5 =	sshll.u32 s28, $0x1;
	[dreg:$0x2] =	wrdreg s3  }
0xa9: {  	[dreg:$0x3] =	wrdreg s5  }
0xaa: {  	[dreg:$0x4] =	wrdreg $0xC0  }
0xab: {  	_ =	task [dreg:s7], $0x5FFFF  }
0xac: {  	[dreg:$0x1] =	wrdreg $0xFFFFFFFF  }
0xad: {  	[dreg:$0x0] =	wrdreg $0x60  }
0xae: {  	[dreg:$0x2] =	wrdreg s2  }
0xaf: {  	[dreg:$0x3] =	wrdreg s24  }
0xb0: {  	[dreg:$0x4] =	wrdreg $0x104000  }
0xb1: {  	[dreg:$0x5] =	wrdreg $0x9  }
0xb2: {  	_ =	task.clear_ibuf [dreg:s7], $0x6FFFF;
	_ =	strace $0x90000046  }
0xb3: {  	s29 =	simm.s32 $0x9;
	_ =	strace $0x80000048  }
0xb4: {  	_ =	swait.ge [sflag:s29], $0x1  }
0xb5: {  	[sflag:s29] =	ssyncadd.s32 $0xFFFFFFFF  }
0xb6: {  	_ =	strace $0x90000048  }
0xb7: {  	_ =	sfence  }
0xb8: {  	s30 =	sld [smem:$0x0];
	_ =	sdelay $0x2  }
0xb9: {  	s31 =	sshll.u32 s1, $0xD;
	s1 =	sshrl.u32 s1, $0x2  }
0xba: {  	s3 =	sand.u32 $0x4000, s31;
	s1 =	sadd.s32 s1, s30  }
0xbb: {  	s0 =	sor.u32 s3, s0;
	s1 =	sshll.u32 s1, $0x11  }
0xbc: {  	s0 =	sor.u32 s1, s0  }
0xbd: {  	s0 =	sadd.s32 $0x8F2B, s0  }
0xbe: {  	[sflag:s0] =	ssyncadd.remote.s32 $0x1  }
0xbf: {  	_ =	sfence.sel $0xFFFF  }
0xc0: {  	[dreg:$0x0] =	wrdreg $0xFFFFFFFF;
	(pc) =	sbr.abs _section_cstart, $3  }
0xc1: {  	[dreg:$0x1] =	wrdreg $0xFFFFFFFF  }
0xc2: {  	_ =	task.clear_ibuf [dreg:s7], $0x2FFFF;
	_ =	strace $0x9FFFFFFF  }
0xc3: {  	(tm) =	ssettm $0x7FFFFFFF  }
tec
execute0_lowered:
.L_overlay_start_1:
0x0: {  	(tag) =	ssettag $0x1  }
0x1: {  	s0 =	rddreg [dreg:$0x0]  }
0x2: {  	s21 =	srdreg.scid;
	s4 =	rddreg [dreg:$0x1]  }
0x3: {  	s3 =	stileid.u32;
	s2 =	rddreg [dreg:$0x2]  }
0x4: {  	s30 =	rddreg [dreg:$0x3];
	s15 =	simm.s32 $0x80;
	s14 =	simm.s32 $0x400  }
0x5: {  	s13 =	simm.s32 $0x4400;
	s11 =	simm.s32 $0x8400;
	s10 =	simm.s32 $0xC400  }
0x6: {  	s18 =	simm.s32 $0x1;
	s17 =	simm.s32 $0x2;
	s8 =	simm.s32 $0x6  }
0x7: {  	s16 =	simm.s32 $0x3;
	s9 =	simm.s32 $0x7;
	p1 =	por $0x0, $0x0  }
0x8: {  	s19 =	simm.s32 $0x4;
	s12 =	simm.s32 $0x8;
	s20 =	simm.s32 $0x380  }
0x9: {  	[dreg:$0x4] =	wrdreg s0;
	s0 =	sand.u32 $0x1, s21;
	s1 =	sshll.u32 s3, $0x1  }
0xa: {  	p0 =	sne.s32 s3, $0x0;
	s21 =	simm.s32 $0x300;
	s5 =	sor.u32 s0, s1  }
0xb: {  	s1 =	simm.s32 $0x0;
	s0 =	ssub.s32 $0x2, s0;
	s28 =	sshrl.u32 @!p0 s2, $0x3  }
0xc: {  	s6 =	sshll.u32 s5, $0x7;
	[smem:$0x7FF] =	sst s1;
	s5 =	sshll.u32 s5, $0xE  }
0xd: {  	s26 =	sshrl.u32 s0, $0x1;
	s6 =	sadd.s32 s6, s4;
	_ =	strace $0x80000047  }
0xe: {  	s7 =	sadd.s32 s5, s4;
	s0 =	ssub.s32 s0, s26;
	s26 =	simm.s32 $0x180  }
0xf: {  	s22 =	sadd.s32 $0xC00, s6;
	s23 =	sadd.s32 $0x1C00, s7;
	s0 =	smax.u32 s0, $0x1  }
0x10: {  	s24 =	sadd.s32 $0x2400, s7;
	s25 =	sadd.s32 $0x2C00, s7;
	s31 =	sadd.s32 $0xFFFFFFFF, s0  }
0x11: {  	s29 =	sadd.s32 $0x3400, s7;
	[dreg:$0x5] =	wrdreg s22;
	p2 =	sne.s32 s31, $0x0  }
.Ltmp0:
0x12: {  	s6 =	sadd.s32 $0x3C00, s7;
	[dreg:$0x6] =	wrdreg s23;
	(pc) =	sbr.rel @!p2 .LBB2_5-.Ltmp0, $4  }
0x13: {  	s5 =	sadd.s32 $0x4400, s7;
	s4 =	sadd.s32 $0x4C00, s7;
	[dreg:$0x7] =	wrdreg s24  }
0x14: {  	s3 =	sadd.s32 $0x5400, s7;
	s7 =	simm.s32 $0x5;
	[dreg:$0x8] =	wrdreg s25  }
0x15: {  	[dreg:$0x9] =	wrdreg s29;
	s24 =	simm.s32 $0x9;
	s25 =	simm.s32 $0x100  }
0x16: {  	s23 =	simm.s32 $0x200;
	s22 =	simm.s32 $0x280;
	s0 =	rddreg [dreg:$0x4]  }
0x17: {  	s29 =	simm.s32 @!p0 $0x1C09;
	s30 =	simm.s32 @!p0 $0x9  }
0x18: {  	[spmem:s28], [sflag:s29] =	dma.local @!p0 [hbm:s0], $0x12C0  }
0x19: {  	_ =	swait.ge @!p0 [sflag:s30], $0x12C0  }
0x1a: {  	[sflag:s30] =	ssyncset.done @!p0 $0x0  }
0x1b: {  	s0 =	rddreg [dreg:$0x5];
	[sflag:s30] =	ssyncadd.s32 @!p0 $0xFFFFED40  }
0x1c: {  	[tilespmem:s1], [sflag:$0x9] =	stream.linear.gather [hbm4b:s0+s1], $0x400, $0x38;
	[tilespmem:$0x10D60] =	vst v63  }
0x1d: {  	_ =	swait.ge [sflag:s24], $0x400  }
0x1e: {  	[sflag:s24] =	ssyncset.done $0x0  }
0x1f: {  	[sflag:s24] =	ssyncadd.s32 $0xFFFFFC00  }
0x20: {  	[bflag:$0x0] =	sbarrier.arrive $0xFFFF  }
0x21: {  	[tilespmem:s14], [sflag:$0x1] =	stream.indirect.gather [spmem:s2], $0x80, s1, s15, $0xb8;
	[tilespmem:$0x10D60] =	vst v63  }
0x22: {  	_ = 	snop  }
0x23: {  	[tilespmem:s13], [sflag:$0x2] =	stream.indirect.gather [spmem:s2], $0x80, s15, s15, $0xb8;
	[tilespmem:$0x10D60] =	vst v63  }
0x24: {  	_ = 	snop  }
0x25: {  	[tilespmem:s11], [sflag:$0x3] =	stream.indirect.gather [spmem:s2], $0x80, s25, s15, $0xb8;
	[tilespmem:$0x10D60] =	vst v63  }
0x26: {  	_ = 	snop  }
0x27: {  	[tilespmem:s10], [sflag:$0x4] =	stream.indirect.gather [spmem:s2], $0x80, s26, s15, $0xb8;
	[tilespmem:$0x10D60] =	vst v63  }
0x28: {  	_ =	swait.ge [sflag:s18], $0x4000  }
0x29: {  	[sflag:s18] =	ssyncset.done $0x0  }
0x2a: {  	s0 =	rddreg [dreg:$0x6];
	[sflag:s18] =	ssyncadd.s32 $0xFFFFC000  }
0x2b: {  	[hbm4b:s0+s1] =	stream.linear.scatter [tilespmem:s14], [sflag:$0x5], $0x4000, $0x38;
	[tilespmem:$0x10D60] =	vst v63  }
0x2c: {  	_ =	swait.ge [sflag:s7], $0x4000  }
0x2d: {  	[sflag:s7] =	ssyncset.done $0x0  }
0x2e: {  	[sflag:s7] =	ssyncadd.s32 $0xFFFFC000  }
0x2f: {  	[tilespmem:s14], [sflag:$0x1] =	stream.indirect.gather [spmem:s2], $0x80, s23, s15, $0xb8;
	[tilespmem:$0x10D60] =	vst v63  }
0x30: {  	_ =	swait.ge [sflag:s17], $0x4000  }
0x31: {  	[sflag:s17] =	ssyncset.done $0x0  }
0x32: {  	s0 =	rddreg [dreg:$0x7];
	[sflag:s17] =	ssyncadd.s32 $0xFFFFC000  }
0x33: {  	[hbm4b:s0+s1] =	stream.linear.scatter [tilespmem:s13], [sflag:$0x6], $0x4000, $0x38;
	[tilespmem:$0x10D60] =	vst v63  }
0x34: {  	_ =	swait.ge [sflag:s8], $0x4000  }
0x35: {  	[sflag:s8] =	ssyncset.done $0x0  }
0x36: {  	[sflag:s8] =	ssyncadd.s32 $0xFFFFC000  }
0x37: {  	[tilespmem:s13], [sflag:$0x2] =	stream.indirect.gather [spmem:s2], $0x80, s22, s15, $0xb8;
	[tilespmem:$0x10D60] =	vst v63  }
0x38: {  	_ =	swait.ge [sflag:s16], $0x4000  }
0x39: {  	[sflag:s16] =	ssyncset.done $0x0  }
0x3a: {  	s0 =	rddreg [dreg:$0x8];
	[sflag:s16] =	ssyncadd.s32 $0xFFFFC000  }
0x3b: {  	[hbm4b:s0+s1] =	stream.linear.scatter [tilespmem:s11], [sflag:$0x7], $0x4000, $0x38;
	[tilespmem:$0x10D60] =	vst v63  }
0x3c: {  	_ =	swait.ge [sflag:s9], $0x4000  }
0x3d: {  	[sflag:s9] =	ssyncset.done $0x0  }
0x3e: {  	[sflag:s9] =	ssyncadd.s32 $0xFFFFC000  }
0x3f: {  	[tilespmem:s11], [sflag:$0x3] =	stream.indirect.gather [spmem:s2], $0x80, s21, s15, $0xb8;
	[tilespmem:$0x10D60] =	vst v63  }
0x40: {  	_ =	swait.ge [sflag:s19], $0x4000  }
0x41: {  	[sflag:s19] =	ssyncset.done $0x0  }
0x42: {  	s0 =	rddreg [dreg:$0x9];
	[sflag:s19] =	ssyncadd.s32 $0xFFFFC000  }
0x43: {  	[hbm4b:s0+s1] =	stream.linear.scatter [tilespmem:s10], [sflag:$0x8], $0x4000, $0x38;
	[tilespmem:$0x10D60] =	vst v63  }
0x44: {  	_ =	swait.ge [sflag:s12], $0x4000  }
0x45: {  	[sflag:s12] =	ssyncset.done $0x0  }
0x46: {  	[sflag:s12] =	ssyncadd.s32 $0xFFFFC000  }
0x47: {  	[tilespmem:s10], [sflag:$0x4] =	stream.indirect.gather [spmem:s2], $0x80, s20, s15, $0xb8;
	[tilespmem:$0x10D60] =	vst v63  }
0x48: {  	_ =	swait.ge [sflag:s18], $0x4000  }
0x49: {  	[sflag:s18] =	ssyncset.done $0x0  }
0x4a: {  	[sflag:s18] =	ssyncadd.s32 $0xFFFFC000  }
0x4b: {  	[hbm4b:s6+s1] =	stream.linear.scatter [tilespmem:s14], [sflag:$0x5], $0x4000, $0x38;
	[tilespmem:$0x10D60] =	vst v63  }
0x4c: {  	_ =	swait.ge [sflag:s17], $0x4000  }
0x4d: {  	[sflag:s17] =	ssyncset.done $0x0  }
0x4e: {  	[sflag:s17] =	ssyncadd.s32 $0xFFFFC000  }
0x4f: {  	[hbm4b:s5+s1] =	stream.linear.scatter [tilespmem:s13], [sflag:$0x6], $0x4000, $0x38;
	[tilespmem:$0x10D60] =	vst v63  }
0x50: {  	_ =	swait.ge [sflag:s16], $0x4000  }
0x51: {  	[sflag:s16] =	ssyncset.done $0x0  }
0x52: {  	[sflag:s16] =	ssyncadd.s32 $0xFFFFC000  }
0x53: {  	[hbm4b:s4+s1] =	stream.linear.scatter [tilespmem:s11], [sflag:$0x7], $0x4000, $0x38;
	[tilespmem:$0x10D60] =	vst v63  }
0x54: {  	_ =	swait.ge [sflag:s19], $0x4000  }
0x55: {  	[sflag:s19] =	ssyncset.done $0x0  }
0x56: {  	[sflag:s19] =	ssyncadd.s32 $0xFFFFC000  }
0x57: {  	[hbm4b:s3+s1] =	stream.linear.scatter [tilespmem:s10], [sflag:$0x8], $0x4000, $0x38;
	[tilespmem:$0x10D60] =	vst v63  }
0x58: {  	_ =	swait.ge [sflag:s7], $0x4000  }
0x59: {  	[sflag:s7] =	ssyncset.done $0x0  }
0x5a: {  	[sflag:s7] =	ssyncadd.s32 $0xFFFFC000  }
0x5b: {  	_ =	swait.ge [sflag:s8], $0x4000  }
0x5c: {  	s31 =	sadd.s32 $0xFFFFFFFF, s31;
	[sflag:s8] =	ssyncset.done $0x0  }
0x5d: {  	p2 =	sne.s32 s31, $0x0;
	[sflag:s8] =	ssyncadd.s32 $0xFFFFC000  }
.Ltmp1:
0x5e: {  	_ =	swait.ge [sflag:s9], $0x4000;
	(pc) =	sbr.rel @!p2 .LBB2_2-.Ltmp1, $4  }
0x5f: {  	[sflag:s9] =	ssyncset.done $0x0  }
0x60: {  	[sflag:s9] =	ssyncadd.s32 $0xFFFFC000  }
0x61: {  	_ =	swait.ge [sflag:s12], $0x4000  }
0x62: {  	p1 =	por $0x1, $0x1;
	s0 =	rddreg [dreg:$0x4];
	[sflag:s12] =	ssyncset.done $0x0  }
.LBB2_3:
0x63: {  	[sflag:s12] =	ssyncadd.s32 $0xFFFFC000  }
0x64: {  	[spmem:s28], [sflag:s29] =	dma.local @!p0 [hbm:s0], $0x12C0  }
0x65: {  	_ =	swait.ge @!p0 [sflag:s30], $0x12C0  }
0x66: {  	[sflag:s30] =	ssyncset.done @!p0 $0x0  }
0x67: {  	s0 =	rddreg [dreg:$0x5];
	[sflag:s30] =	ssyncadd.s32 @!p0 $0xFFFFED40  }
0x68: {  	[tilespmem:s1], [sflag:$0x9] =	stream.linear.gather [hbm4b:s0+s1], $0x400, $0x38;
	[tilespmem:$0x10D60] =	vst v63  }
0x69: {  	_ =	swait.ge [sflag:s24], $0x400  }
0x6a: {  	[sflag:s24] =	ssyncset.done $0x0  }
0x6b: {  	[sflag:s24] =	ssyncadd.s32 $0xFFFFFC00  }
0x6c: {  	[bflag:$0x0] =	sbarrier.arrive $0xFFFF  }
0x6d: {  	[tilespmem:s14], [sflag:$0x1] =	stream.indirect.gather [spmem:s2], $0x80, s1, s15, $0xb8;
	[tilespmem:$0x10D60] =	vst v63  }
0x6e: {  	_ = 	snop  }
0x6f: {  	[tilespmem:s13], [sflag:$0x2] =	stream.indirect.gather [spmem:s2], $0x80, s15, s15, $0xb8;
	[tilespmem:$0x10D60] =	vst v63  }
0x70: {  	_ = 	snop  }
0x71: {  	[tilespmem:s11], [sflag:$0x3] =	stream.indirect.gather [spmem:s2], $0x80, s25, s15, $0xb8;
	[tilespmem:$0x10D60] =	vst v63  }
0x72: {  	_ = 	snop  }
0x73: {  	[tilespmem:s10], [sflag:$0x4] =	stream.indirect.gather [spmem:s2], $0x80, s26, s15, $0xb8;
	[tilespmem:$0x10D60] =	vst v63  }
0x74: {  	_ =	swait.ge [sflag:s18], $0x4000  }
0x75: {  	[sflag:s18] =	ssyncset.done $0x0  }
0x76: {  	s0 =	rddreg [dreg:$0x6];
	[sflag:s18] =	ssyncadd.s32 $0xFFFFC000  }
0x77: {  	[hbm4b:s0+s1] =	stream.linear.scatter [tilespmem:s14], [sflag:$0x5], $0x4000, $0x38;
	[tilespmem:$0x10D60] =	vst v63  }
0x78: {  	_ =	swait.ge [sflag:s7], $0x4000  }
0x79: {  	[sflag:s7] =	ssyncset.done $0x0  }
0x7a: {  	[sflag:s7] =	ssyncadd.s32 $0xFFFFC000  }
0x7b: {  	[tilespmem:s14], [sflag:$0x1] =	stream.indirect.gather [spmem:s2], $0x80, s23, s15, $0xb8;
	[tilespmem:$0x10D60] =	vst v63  }
0x7c: {  	_ =	swait.ge [sflag:s17], $0x4000  }
0x7d: {  	[sflag:s17] =	ssyncset.done $0x0  }
0x7e: {  	s0 =	rddreg [dreg:$0x7];
	[sflag:s17] =	ssyncadd.s32 $0xFFFFC000  }
0x7f: {  	[hbm4b:s0+s1] =	stream.linear.scatter [tilespmem:s13], [sflag:$0x6], $0x4000, $0x38;
	[tilespmem:$0x10D60] =	vst v63  }
0x80: {  	_ =	swait.ge [sflag:s8], $0x4000  }
0x81: {  	[sflag:s8] =	ssyncset.done $0x0  }
0x82: {  	[sflag:s8] =	ssyncadd.s32 $0xFFFFC000  }
0x83: {  	[tilespmem:s13], [sflag:$0x2] =	stream.indirect.gather [spmem:s2], $0x80, s22, s15, $0xb8;
	[tilespmem:$0x10D60] =	vst v63  }
0x84: {  	_ =	swait.ge [sflag:s16], $0x4000  }
0x85: {  	[sflag:s16] =	ssyncset.done $0x0  }
0x86: {  	s0 =	rddreg [dreg:$0x8];
	[sflag:s16] =	ssyncadd.s32 $0xFFFFC000  }
0x87: {  	[hbm4b:s0+s1] =	stream.linear.scatter [tilespmem:s11], [sflag:$0x7], $0x4000, $0x38;
	[tilespmem:$0x10D60] =	vst v63  }
0x88: {  	_ =	swait.ge [sflag:s9], $0x4000  }
0x89: {  	[sflag:s9] =	ssyncset.done $0x0  }
0x8a: {  	[sflag:s9] =	ssyncadd.s32 $0xFFFFC000  }
0x8b: {  	[tilespmem:s11], [sflag:$0x3] =	stream.indirect.gather [spmem:s2], $0x80, s21, s15, $0xb8;
	[tilespmem:$0x10D60] =	vst v63  }
0x8c: {  	_ =	swait.ge [sflag:s19], $0x4000  }
0x8d: {  	[sflag:s19] =	ssyncset.done $0x0  }
0x8e: {  	s0 =	rddreg [dreg:$0x9];
	[sflag:s19] =	ssyncadd.s32 $0xFFFFC000  }
0x8f: {  	[hbm4b:s0+s1] =	stream.linear.scatter [tilespmem:s10], [sflag:$0x8], $0x4000, $0x38;
	[tilespmem:$0x10D60] =	vst v63  }
0x90: {  	_ =	swait.ge [sflag:s12], $0x4000  }
0x91: {  	[sflag:s12] =	ssyncset.done $0x0  }
0x92: {  	[sflag:s12] =	ssyncadd.s32 $0xFFFFC000  }
0x93: {  	[tilespmem:s10], [sflag:$0x4] =	stream.indirect.gather [spmem:s2], $0x80, s20, s15, $0xb8;
	[tilespmem:$0x10D60] =	vst v63  }
0x94: {  	_ =	swait.ge [sflag:s18], $0x4000  }
0x95: {  	[sflag:s18] =	ssyncset.done $0x0  }
0x96: {  	[sflag:s18] =	ssyncadd.s32 $0xFFFFC000  }
0x97: {  	[hbm4b:s6+s1] =	stream.linear.scatter [tilespmem:s14], [sflag:$0x5], $0x4000, $0x38;
	[tilespmem:$0x10D60] =	vst v63  }
0x98: {  	_ =	swait.ge [sflag:s17], $0x4000  }
0x99: {  	[sflag:s17] =	ssyncset.done $0x0  }
0x9a: {  	[sflag:s17] =	ssyncadd.s32 $0xFFFFC000  }
0x9b: {  	[hbm4b:s5+s1] =	stream.linear.scatter [tilespmem:s13], [sflag:$0x6], $0x4000, $0x38;
	[tilespmem:$0x10D60] =	vst v63  }
0x9c: {  	_ =	swait.ge [sflag:s16], $0x4000  }
0x9d: {  	[sflag:s16] =	ssyncset.done $0x0  }
0x9e: {  	[sflag:s16] =	ssyncadd.s32 $0xFFFFC000  }
0x9f: {  	[hbm4b:s4+s1] =	stream.linear.scatter [tilespmem:s11], [sflag:$0x7], $0x4000, $0x38;
	[tilespmem:$0x10D60] =	vst v63  }
0xa0: {  	_ =	swait.ge [sflag:s19], $0x4000  }
0xa1: {  	[sflag:s19] =	ssyncset.done $0x0  }
0xa2: {  	[sflag:s19] =	ssyncadd.s32 $0xFFFFC000  }
0xa3: {  	[hbm4b:s3+s1] =	stream.linear.scatter [tilespmem:s10], [sflag:$0x8], $0x4000, $0x38;
	[tilespmem:$0x10D60] =	vst v63  }
0xa4: {  	_ =	swait.ge [sflag:s7], $0x4000  }
0xa5: {  	[sflag:s7] =	ssyncset.done $0x0  }
0xa6: {  	[sflag:s7] =	ssyncadd.s32 $0xFFFFC000  }
0xa7: {  	_ =	swait.ge [sflag:s8], $0x4000  }
0xa8: {  	s31 =	sadd.s32 $0xFFFFFFFF, s31;
	[sflag:s8] =	ssyncset.done $0x0  }
0xa9: {  	p2 =	sne.s32 s31, $0x0;
	[sflag:s8] =	ssyncadd.s32 $0xFFFFC000  }
.Ltmp2:
0xaa: {  	_ =	swait.ge [sflag:s9], $0x4000;
	(pc) =	sbr.rel @p2 .LBB2_3-.Ltmp2, $4  }
0xab: {  	[sflag:s9] =	ssyncset.done $0x0  }
0xac: {  	[sflag:s9] =	ssyncadd.s32 $0xFFFFC000  }
0xad: {  	_ =	swait.ge [sflag:s12], $0x4000  }
0xae: {  	s0 =	rddreg [dreg:$0x4];
	[sflag:s12] =	ssyncset.done $0x0  }
0xaf: {  	s30 =	rddreg [dreg:$0x3]  }
.LBB2_5:
0xb0: {  	[sflag:s12] =	ssyncadd.s32 @p1 $0xFFFFC000;
	s29 =	simm.s32 @!p0 $0x1C09  }
0xb1: {  	[spmem:s28], [sflag:s29] =	dma.local @!p0 [hbm:s0], $0x12C0  }
0xb2: {  	s0 =	simm.s32 @!p0 $0x9  }
0xb3: {  	_ =	swait.ge @!p0 [sflag:s0], $0x12C0  }
0xb4: {  	[sflag:s0] =	ssyncset.done @!p0 $0x0  }
0xb5: {  	s31 =	rddreg [dreg:$0x5];
	[sflag:s0] =	ssyncadd.s32 @!p0 $0xFFFFED40  }
0xb6: {  	[tilespmem:s1], [sflag:$0x9] =	stream.linear.gather [hbm4b:s31+s1], $0x400, $0x38;
	[tilespmem:$0x10D60] =	vst v63  }
0xb7: {  	_ =	swait.ge [sflag:s24], $0x400  }
0xb8: {  	[sflag:s24] =	ssyncset.done $0x0  }
0xb9: {  	[sflag:s24] =	ssyncadd.s32 $0xFFFFFC00  }
0xba: {  	[bflag:$0x0] =	sbarrier.arrive $0xFFFF  }
0xbb: {  	[tilespmem:s14], [sflag:$0x1] =	stream.indirect.gather [spmem:s2], $0x80, s1, s15, $0xb8;
	[tilespmem:$0x10D60] =	vst v63  }
0xbc: {  	_ = 	snop  }
0xbd: {  	[tilespmem:s13], [sflag:$0x2] =	stream.indirect.gather [spmem:s2], $0x80, s15, s15, $0xb8;
	[tilespmem:$0x10D60] =	vst v63  }
0xbe: {  	_ = 	snop  }
0xbf: {  	[tilespmem:s11], [sflag:$0x3] =	stream.indirect.gather [spmem:s2], $0x80, s25, s15, $0xb8;
	[tilespmem:$0x10D60] =	vst v63  }
0xc0: {  	_ = 	snop  }
0xc1: {  	[tilespmem:s10], [sflag:$0x4] =	stream.indirect.gather [spmem:s2], $0x80, s26, s15, $0xb8;
	[tilespmem:$0x10D60] =	vst v63  }
0xc2: {  	_ =	swait.ge [sflag:s18], $0x4000  }
0xc3: {  	[sflag:s18] =	ssyncset.done $0x0  }
0xc4: {  	s26 =	rddreg [dreg:$0x6];
	[sflag:s18] =	ssyncadd.s32 $0xFFFFC000  }
0xc5: {  	[hbm4b:s26+s1] =	stream.linear.scatter [tilespmem:s14], [sflag:$0x5], $0x4000, $0x38;
	[tilespmem:$0x10D60] =	vst v63  }
0xc6: {  	_ =	swait.ge [sflag:s7], $0x4000  }
0xc7: {  	[sflag:s7] =	ssyncset.done $0x0  }
0xc8: {  	[sflag:s7] =	ssyncadd.s32 $0xFFFFC000  }
0xc9: {  	[tilespmem:s14], [sflag:$0x1] =	stream.indirect.gather [spmem:s2], $0x80, s23, s15, $0xb8;
	[tilespmem:$0x10D60] =	vst v63  }
0xca: {  	_ =	swait.ge [sflag:s17], $0x4000  }
0xcb: {  	[sflag:s17] =	ssyncset.done $0x0  }
0xcc: {  	s28 =	rddreg [dreg:$0x7];
	[sflag:s17] =	ssyncadd.s32 $0xFFFFC000  }
0xcd: {  	[hbm4b:s28+s1] =	stream.linear.scatter [tilespmem:s13], [sflag:$0x6], $0x4000, $0x38;
	[tilespmem:$0x10D60] =	vst v63  }
0xce: {  	_ =	swait.ge [sflag:s8], $0x4000  }
0xcf: {  	[sflag:s8] =	ssyncset.done $0x0  }
0xd0: {  	[sflag:s8] =	ssyncadd.s32 $0xFFFFC000  }
0xd1: {  	[tilespmem:s13], [sflag:$0x2] =	stream.indirect.gather [spmem:s2], $0x80, s22, s15, $0xb8;
	[tilespmem:$0x10D60] =	vst v63  }
0xd2: {  	_ =	swait.ge [sflag:s16], $0x4000  }
0xd3: {  	[sflag:s16] =	ssyncset.done $0x0  }
0xd4: {  	s29 =	rddreg [dreg:$0x8];
	[sflag:s16] =	ssyncadd.s32 $0xFFFFC000  }
0xd5: {  	[hbm4b:s29+s1] =	stream.linear.scatter [tilespmem:s11], [sflag:$0x7], $0x4000, $0x38;
	[tilespmem:$0x10D60] =	vst v63  }
0xd6: {  	_ =	swait.ge [sflag:s9], $0x4000  }
0xd7: {  	[sflag:s9] =	ssyncset.done $0x0  }
0xd8: {  	[sflag:s9] =	ssyncadd.s32 $0xFFFFC000  }
0xd9: {  	[tilespmem:s11], [sflag:$0x3] =	stream.indirect.gather [spmem:s2], $0x80, s21, s15, $0xb8;
	[tilespmem:$0x10D60] =	vst v63  }
0xda: {  	_ =	swait.ge [sflag:s19], $0x4000  }
0xdb: {  	[sflag:s19] =	ssyncset.done $0x0  }
0xdc: {  	s31 =	rddreg [dreg:$0x9];
	[sflag:s19] =	ssyncadd.s32 $0xFFFFC000  }
0xdd: {  	[hbm4b:s31+s1] =	stream.linear.scatter [tilespmem:s10], [sflag:$0x8], $0x4000, $0x38;
	[tilespmem:$0x10D60] =	vst v63  }
0xde: {  	_ =	swait.ge [sflag:s12], $0x4000  }
0xdf: {  	[sflag:s12] =	ssyncset.done $0x0  }
0xe0: {  	[sflag:s12] =	ssyncadd.s32 $0xFFFFC000  }
0xe1: {  	[tilespmem:s10], [sflag:$0x4] =	stream.indirect.gather [spmem:s2], $0x80, s20, s15, $0xb8;
	[tilespmem:$0x10D60] =	vst v63  }
0xe2: {  	_ =	swait.ge [sflag:s18], $0x4000  }
0xe3: {  	[sflag:s18] =	ssyncset.done $0x0  }
0xe4: {  	[sflag:s18] =	ssyncadd.s32 $0xFFFFC000  }
0xe5: {  	[hbm4b:s6+s1] =	stream.linear.scatter [tilespmem:s14], [sflag:$0x5], $0x4000, $0x38;
	[tilespmem:$0x10D60] =	vst v63  }
0xe6: {  	_ =	swait.ge [sflag:s17], $0x4000  }
0xe7: {  	[sflag:s17] =	ssyncset.done $0x0  }
0xe8: {  	[sflag:s17] =	ssyncadd.s32 $0xFFFFC000  }
0xe9: {  	[hbm4b:s5+s1] =	stream.linear.scatter [tilespmem:s13], [sflag:$0x6], $0x4000, $0x38;
	[tilespmem:$0x10D60] =	vst v63  }
0xea: {  	_ =	swait.ge [sflag:s16], $0x4000  }
0xeb: {  	[sflag:s16] =	ssyncset.done $0x0  }
0xec: {  	[sflag:s16] =	ssyncadd.s32 $0xFFFFC000  }
0xed: {  	[hbm4b:s4+s1] =	stream.linear.scatter [tilespmem:s11], [sflag:$0x7], $0x4000, $0x38;
	[tilespmem:$0x10D60] =	vst v63  }
0xee: {  	_ =	swait.ge [sflag:s19], $0x4000  }
0xef: {  	[sflag:s19] =	ssyncset.done $0x0  }
0xf0: {  	[sflag:s19] =	ssyncadd.s32 $0xFFFFC000  }
0xf1: {  	[hbm4b:s3+s1] =	stream.linear.scatter [tilespmem:s10], [sflag:$0x8], $0x4000, $0x38;
	[tilespmem:$0x10D60] =	vst v63  }
0xf2: {  	_ =	swait.ge [sflag:s7], $0x4000  }
0xf3: {  	[sflag:s7] =	ssyncset.done $0x0  }
0xf4: {  	[sflag:s7] =	ssyncadd.s32 $0xFFFFC000  }
0xf5: {  	_ =	swait.ge [sflag:s8], $0x4000  }
0xf6: {  	[sflag:s8] =	ssyncset.done $0x0  }
0xf7: {  	[sflag:s8] =	ssyncadd.s32 $0xFFFFC000  }
0xf8: {  	_ =	swait.ge [sflag:s9], $0x4000  }
0xf9: {  	[sflag:s9] =	ssyncset.done $0x0  }
0xfa: {  	[sflag:s9] =	ssyncadd.s32 $0xFFFFC000  }
0xfb: {  	_ =	swait.ge [sflag:s12], $0x4000  }
0xfc: {  	[sflag:s12] =	ssyncset.done $0x0  }
0xfd: {  	[sflag:s12] =	ssyncadd.s32 $0xFFFFC000  }
0xfe: {  	_ =	sfence.sel $0x180000  }
0xff: {  	[bflag:$0x0] =	sbarrier.arrive $0xFFFF  }
0x100: {  	_ =	strace $0x90000047  }
0x101: {  	s0 =	sadd.s32 @!p0 $0x100000, s30;
	[bflag:$0x2] =	sbarrier.arrive $0xFFFF  }
0x102: {  	[sflag:s0] =	ssyncadd.tile.s32 @!p0 $0x1;
	_ =	shalt  }
.LBB2_2:
.Ltmp3:
0x103: {  	(pc) =	sbr.rel .LBB2_5-.Ltmp3, $2  }
0x104: {  	_ =	sdelay $0x2  }
0x105: {  	s30 =	rddreg [dreg:$0x3]  }
.Lfunc_end2:
_tile_overlayer_lowered:
.L_overlay_start_2:
0x106: {  	(tag) =	ssettag $0x2  }
0x107: {  	s0 =	rddreg [dreg:$0x0];
	s2 =	stileid.u32  }
0x108: {  	s1 =	rddreg [dreg:$0x1];
	p0 =	sne.s32 s2, $0x0  }
0x109: {  	s3 =	rddreg [dreg:$0x2];
	[bflag:$0x3] =	sbarrier.arrive $0xFFFF;
	s2 =	simm.s32 @!p0 $0x1C09  }
0x10a: {  	[timem:s3], [sflag:s2] =	dma.local @!p0 [hbm:s0], s1  }
0x10b: {  	s0 =	simm.s32 @!p0 $0x9  }
0x10c: {  	_ =	swait.ge @!p0 [sflag:s0], s1  }
0x10d: {  	s1 =	ssub.s32 @!p0 $0x0, s1;
	[sflag:s0] =	ssyncset.done @!p0 $0x0  }
0x10e: {  	[sflag:s0] =	ssyncadd.s32 @!p0 s1  }
0x10f: {  	[bflag:$0x3] =	sbarrier.arrive $0xFFFF  }
0x110: {  	_ =	shalt  }

</sc_bundles>
